<compile_context>
chip_gen: v7x
topology: tpu7x:2x2x1
jax: 0.10.2.dev20260603
libtpu: 0.0.44.dev20260713+nightly
codegen_flags: <defaults>
</compile_context>

<pallas_src>
import functools

import jax
import jax.numpy as jnp
from jax import lax
from jax.experimental import pallas as pl
from jax.experimental.pallas import tpu as pltpu
from jax.experimental.pallas import tpu_sc as plsc

_NC = 2
_NS = 16
_NW = _NC * _NS
_L = 16
_NCHK = 8


def kernel(x):
    n, d = x.shape
    assert n % (_NW * _NCHK) == 0 and d >= _L
    rows = n // _NW
    crows = rows // _NCHK
    mesh = plsc.VectorSubcoreMesh(core_axis_name="c", subcore_axis_name="s")

    dn = lax.GatherDimensionNumbers(
        offset_dims=(), collapsed_slice_dims=(0,), start_index_map=(0,))

    def perm(v, idx):
        return lax.gather(v, idx, dn, slice_sizes=(1,),
                          mode=lax.GatherScatterMode.PROMISE_IN_BOUNDS)

    @functools.partial(
        pl.kernel,
        out_type=jax.ShapeDtypeStruct((n * d,), x.dtype),
        mesh=mesh,
        scratch_types=[pltpu.VMEM((rows * d,), jnp.float32)]
        + [pltpu.SemaphoreType.DMA] * (2 * _NCHK),
    )
    def run(x_hbm, out_hbm, slab, *sems):
        wid = lax.axis_index("s") * _NC + lax.axis_index("c")
        base = wid * rows

        in_cps = []
        for k in range(_NCHK):
            hbm_sl = pl.ds((base + k * crows) * d, crows * d)
            loc_sl = pl.ds(k * crows * d, crows * d)
            in_cps.append(
                pltpu.async_copy(x_hbm.at[hbm_sl], slab.at[loc_sl], sems[k]))

        lane = lax.iota(jnp.int32, _L)
        m13 = lane >= 13
        m14 = lane == 14
        zero = jnp.zeros((_L,), jnp.float32)
        one = jnp.ones((_L,), jnp.float32)
        izero = jnp.zeros((_L,), jnp.int32)
        ione = izero + 1
        e13 = jnp.where(lane == 13, ione, izero)
        e14 = jnp.where(m14, ione, izero)
        e15 = jnp.where(lane == 15, ione, izero)
        i_num = (lane - e14)[:, None]
        i_d2 = (lane - e13 - e15)[:, None]
        i_d3 = (lane + e14)[:, None]

        out_cps = []
        for k in range(_NCHK):
            in_cps[k].wait()

            @plsc.parallel_loop(0, crows, unroll=4)
            def step(r, k=k):
                off = (k * crows + r) * d + (d - _L)
                v = slab[pl.ds(off, _L)]
                num = perm(v, i_num)
                d2 = perm(v, i_d2)
                d3 = perm(v, i_d3)
                den = num + d2 + jnp.where(m14, d3, zero)
                slab[pl.ds(off, _L)] = (
                    jnp.where(m13, num, v) / jnp.where(m13, den, one)
                )
            hbm_sl = pl.ds((base + k * crows) * d, crows * d)
            loc_sl = pl.ds(k * crows * d, crows * d)
            out_cps.append(
                pltpu.async_copy(slab.at[loc_sl], out_hbm.at[hbm_sl],
                                 sems[_NCHK + k]))
        for cp in out_cps:
            cp.wait()

    return run(x.reshape(-1)).reshape(n, d)

# --- scband reference (transcript-rebuilt; emitter-appended) ---
"""Pipeline reference for scband-deep-jet-transform4to4to-nano-11544872092145 (READ-ONLY COPY).

The authoritative reference and input builder live on the scoring server;
editing this copy changes nothing except your own understanding.
"""

import jax, jax.numpy as jnp
import numpy as np

DEEPJET_INDICES = [124, 125, 126, 127]


def setup_inputs(seed: int = 0) -> dict:
    key = jax.random.key(seed)
    # probabilities/features in (0,1) so the ratio denominators are positive,
    # matching real DeepJet discriminator inputs
    x = jax.random.uniform(key, (16384, 128), dtype=jnp.float32, minval=0.01, maxval=1.0)
    return {"x": x}


def reference(x):
    # eval-mode path of DeepJetTransform4to4toNano.forward
    idx = DEEPJET_INDICES
    b = jnp.take(x, jnp.array([idx[0]], dtype=jnp.int32), axis=1)
    c = jnp.take(x, jnp.array([idx[1]], dtype=jnp.int32), axis=1)
    l = jnp.take(x, jnp.array([idx[2]], dtype=jnp.int32), axis=1)
    g = jnp.take(x, jnp.array([idx[3]], dtype=jnp.int32), axis=1)
    analytical = jnp.concatenate(
        (b, c / (c + b), c / (c + l + g), g / (g + l)), axis=1
    )
    if idx[0] > 0:
        out = jnp.concatenate([x[:, : idx[0]], analytical], axis=1)
    else:
        out = analytical
    return out

if __name__ == "__main__":
    import jax
    _d = setup_inputs()
    print(jax.jit(kernel)(*tuple(_d.values())))

</pallas_src>

<mosaic_0001>
#map = affine_map<(d0, d1) -> (0)>
module attributes {stable_mosaic.version = 14 : i64} {
  func.func @run(%arg0: i32, %arg1: i32, %arg2: memref<2097152xf32, #tpu.memory_space<hbm>>, %arg3: memref<2097152xf32, #tpu.memory_space<hbm>>, %arg4: memref<65536xf32, #tpu.memory_space<vmem>>, %arg5: memref<!tpu.dma_semaphore, #tpu.memory_space<semaphore_mem>>, %arg6: memref<!tpu.dma_semaphore, #tpu.memory_space<semaphore_mem>>, %arg7: memref<!tpu.dma_semaphore, #tpu.memory_space<semaphore_mem>>, %arg8: memref<!tpu.dma_semaphore, #tpu.memory_space<semaphore_mem>>, %arg9: memref<!tpu.dma_semaphore, #tpu.memory_space<semaphore_mem>>, %arg10: memref<!tpu.dma_semaphore, #tpu.memory_space<semaphore_mem>>, %arg11: memref<!tpu.dma_semaphore, #tpu.memory_space<semaphore_mem>>, %arg12: memref<!tpu.dma_semaphore, #tpu.memory_space<semaphore_mem>>, %arg13: memref<!tpu.dma_semaphore, #tpu.memory_space<semaphore_mem>>, %arg14: memref<!tpu.dma_semaphore, #tpu.memory_space<semaphore_mem>>, %arg15: memref<!tpu.dma_semaphore, #tpu.memory_space<semaphore_mem>>, %arg16: memref<!tpu.dma_semaphore, #tpu.memory_space<semaphore_mem>>, %arg17: memref<!tpu.dma_semaphore, #tpu.memory_space<semaphore_mem>>, %arg18: memref<!tpu.dma_semaphore, #tpu.memory_space<semaphore_mem>>, %arg19: memref<!tpu.dma_semaphore, #tpu.memory_space<semaphore_mem>>, %arg20: memref<!tpu.dma_semaphore, #tpu.memory_space<semaphore_mem>>) attributes {dimension_semantics = [#tpu.dimension_semantics<core_parallel>, #tpu.dimension_semantics<subcore_parallel>], iteration_bounds = array<i64: 2, 16>, scalar_prefetch = 0 : i64, scratch_operands = 17 : i64, tpu.core_type = #tpu.core_type<sc_vector_subcore>, window_params = [{transform_indices = #map}, {transform_indices = #map}]} {
    %mul3A = arith.constant 2 : i32
    %mul3A_0 = arith.muli %arg1, %mul3A : i32
    %add3A = arith.addi %mul3A_0, %arg0 : i32
    %mul3A_1 = arith.constant 512 : i32
    %mul3A_2 = arith.muli %add3A, %mul3A_1 : i32
    %add3A_3 = arith.constant 0 : i32
    %add3A_4 = arith.addi %mul3A_2, %add3A_3 : i32
    %mul3A_5 = arith.constant 128 : i32
    %mul3A_6 = arith.muli %add3A_4, %mul3A_5 : i32
    %dma_start3A = arith.constant 0 : i32
    %dma_start3A_7 = tpu.memref_slice %arg4[%dma_start3A] : memref<65536xf32, #tpu.memory_space<vmem>> -> memref<8192xf32, #tpu.memory_space<vmem>>
    %dma_start3A_8 = tpu.memref_slice %arg2[%mul3A_6] : memref<2097152xf32, #tpu.memory_space<hbm>> -> memref<8192xf32, #tpu.memory_space<hbm>>
    %dma_start3A_9 = arith.constant 0 : i32
    %dma_start3A_10 = tpu.memref_slice %arg4[%dma_start3A_9] : memref<65536xf32, #tpu.memory_space<vmem>> -> memref<8192xf32, #tpu.memory_space<vmem>>
    %dma_start3A_11 = tpu.memref_slice %arg2[%mul3A_6] : memref<2097152xf32, #tpu.memory_space<hbm>> -> memref<8192xf32, #tpu.memory_space<hbm>>
    tpu.enqueue_dma source(%dma_start3A_11 : memref<8192xf32, #tpu.memory_space<hbm>>) target(%dma_start3A_10 : memref<8192xf32, #tpu.memory_space<vmem>>) target_semaphore(%arg5 : memref<!tpu.dma_semaphore, #tpu.memory_space<semaphore_mem>>)
    %add3A_12 = arith.constant 64 : i32
    %add3A_13 = arith.addi %mul3A_2, %add3A_12 : i32
    %mul3A_14 = arith.constant 128 : i32
    %mul3A_15 = arith.muli %add3A_13, %mul3A_14 : i32
    %dma_start3A_16 = arith.constant 8192 : i32
    %dma_start3A_17 = tpu.memref_slice %arg4[%dma_start3A_16] : memref<65536xf32, #tpu.memory_space<vmem>> -> memref<8192xf32, #tpu.memory_space<vmem>>
    %dma_start3A_18 = tpu.memref_slice %arg2[%mul3A_15] : memref<2097152xf32, #tpu.memory_space<hbm>> -> memref<8192xf32, #tpu.memory_space<hbm>>
    %dma_start3A_19 = arith.constant 8192 : i32
    %dma_start3A_20 = tpu.memref_slice %arg4[%dma_start3A_19] : memref<65536xf32, #tpu.memory_space<vmem>> -> memref<8192xf32, #tpu.memory_space<vmem>>
    %dma_start3A_21 = tpu.memref_slice %arg2[%mul3A_15] : memref<2097152xf32, #tpu.memory_space<hbm>> -> memref<8192xf32, #tpu.memory_space<hbm>>
    tpu.enqueue_dma source(%dma_start3A_21 : memref<8192xf32, #tpu.memory_space<hbm>>) target(%dma_start3A_20 : memref<8192xf32, #tpu.memory_space<vmem>>) target_semaphore(%arg6 : memref<!tpu.dma_semaphore, #tpu.memory_space<semaphore_mem>>)
    %add3A_22 = arith.constant 128 : i32
    %add3A_23 = arith.addi %mul3A_2, %add3A_22 : i32
    %mul3A_24 = arith.constant 128 : i32
    %mul3A_25 = arith.muli %add3A_23, %mul3A_24 : i32
    %dma_start3A_26 = arith.constant 16384 : i32
    %dma_start3A_27 = tpu.memref_slice %arg4[%dma_start3A_26] : memref<65536xf32, #tpu.memory_space<vmem>> -> memref<8192xf32, #tpu.memory_space<vmem>>
    %dma_start3A_28 = tpu.memref_slice %arg2[%mul3A_25] : memref<2097152xf32, #tpu.memory_space<hbm>> -> memref<8192xf32, #tpu.memory_space<hbm>>
    %dma_start3A_29 = arith.constant 16384 : i32
    %dma_start3A_30 = tpu.memref_slice %arg4[%dma_start3A_29] : memref<65536xf32, #tpu.memory_space<vmem>> -> memref<8192xf32, #tpu.memory_space<vmem>>
    %dma_start3A_31 = tpu.memref_slice %arg2[%mul3A_25] : memref<2097152xf32, #tpu.memory_space<hbm>> -> memref<8192xf32, #tpu.memory_space<hbm>>
    tpu.enqueue_dma source(%dma_start3A_31 : memref<8192xf32, #tpu.memory_space<hbm>>) target(%dma_start3A_30 : memref<8192xf32, #tpu.memory_space<vmem>>) target_semaphore(%arg7 : memref<!tpu.dma_semaphore, #tpu.memory_space<semaphore_mem>>)
    %add3A_32 = arith.constant 192 : i32
    %add3A_33 = arith.addi %mul3A_2, %add3A_32 : i32
    %mul3A_34 = arith.constant 128 : i32
    %mul3A_35 = arith.muli %add3A_33, %mul3A_34 : i32
    %dma_start3A_36 = arith.constant 24576 : i32
    %dma_start3A_37 = tpu.memref_slice %arg4[%dma_start3A_36] : memref<65536xf32, #tpu.memory_space<vmem>> -> memref<8192xf32, #tpu.memory_space<vmem>>
    %dma_start3A_38 = tpu.memref_slice %arg2[%mul3A_35] : memref<2097152xf32, #tpu.memory_space<hbm>> -> memref<8192xf32, #tpu.memory_space<hbm>>
    %dma_start3A_39 = arith.constant 24576 : i32
    %dma_start3A_40 = tpu.memref_slice %arg4[%dma_start3A_39] : memref<65536xf32, #tpu.memory_space<vmem>> -> memref<8192xf32, #tpu.memory_space<vmem>>
    %dma_start3A_41 = tpu.memref_slice %arg2[%mul3A_35] : memref<2097152xf32, #tpu.memory_space<hbm>> -> memref<8192xf32, #tpu.memory_space<hbm>>
    tpu.enqueue_dma source(%dma_start3A_41 : memref<8192xf32, #tpu.memory_space<hbm>>) target(%dma_start3A_40 : memref<8192xf32, #tpu.memory_space<vmem>>) target_semaphore(%arg8 : memref<!tpu.dma_semaphore, #tpu.memory_space<semaphore_mem>>)
    %add3A_42 = arith.constant 256 : i32
    %add3A_43 = arith.addi %mul3A_2, %add3A_42 : i32
    %mul3A_44 = arith.constant 128 : i32
    %mul3A_45 = arith.muli %add3A_43, %mul3A_44 : i32
    %dma_start3A_46 = arith.constant 32768 : i32
    %dma_start3A_47 = tpu.memref_slice %arg4[%dma_start3A_46] : memref<65536xf32, #tpu.memory_space<vmem>> -> memref<8192xf32, #tpu.memory_space<vmem>>
    %dma_start3A_48 = tpu.memref_slice %arg2[%mul3A_45] : memref<2097152xf32, #tpu.memory_space<hbm>> -> memref<8192xf32, #tpu.memory_space<hbm>>
    %dma_start3A_49 = arith.constant 32768 : i32
    %dma_start3A_50 = tpu.memref_slice %arg4[%dma_start3A_49] : memref<65536xf32, #tpu.memory_space<vmem>> -> memref<8192xf32, #tpu.memory_space<vmem>>
    %dma_start3A_51 = tpu.memref_slice %arg2[%mul3A_45] : memref<2097152xf32, #tpu.memory_space<hbm>> -> memref<8192xf32, #tpu.memory_space<hbm>>
    tpu.enqueue_dma source(%dma_start3A_51 : memref<8192xf32, #tpu.memory_space<hbm>>) target(%dma_start3A_50 : memref<8192xf32, #tpu.memory_space<vmem>>) target_semaphore(%arg9 : memref<!tpu.dma_semaphore, #tpu.memory_space<semaphore_mem>>)
    %add3A_52 = arith.constant 320 : i32
    %add3A_53 = arith.addi %mul3A_2, %add3A_52 : i32
    %mul3A_54 = arith.constant 128 : i32
    %mul3A_55 = arith.muli %add3A_53, %mul3A_54 : i32
    %dma_start3A_56 = arith.constant 40960 : i32
    %dma_start3A_57 = tpu.memref_slice %arg4[%dma_start3A_56] : memref<65536xf32, #tpu.memory_space<vmem>> -> memref<8192xf32, #tpu.memory_space<vmem>>
    %dma_start3A_58 = tpu.memref_slice %arg2[%mul3A_55] : memref<2097152xf32, #tpu.memory_space<hbm>> -> memref<8192xf32, #tpu.memory_space<hbm>>
    %dma_start3A_59 = arith.constant 40960 : i32
    %dma_start3A_60 = tpu.memref_slice %arg4[%dma_start3A_59] : memref<65536xf32, #tpu.memory_space<vmem>> -> memref<8192xf32, #tpu.memory_space<vmem>>
    %dma_start3A_61 = tpu.memref_slice %arg2[%mul3A_55] : memref<2097152xf32, #tpu.memory_space<hbm>> -> memref<8192xf32, #tpu.memory_space<hbm>>
    tpu.enqueue_dma source(%dma_start3A_61 : memref<8192xf32, #tpu.memory_space<hbm>>) target(%dma_start3A_60 : memref<8192xf32, #tpu.memory_space<vmem>>) target_semaphore(%arg10 : memref<!tpu.dma_semaphore, #tpu.memory_space<semaphore_mem>>)
    %add3A_62 = arith.constant 384 : i32
    %add3A_63 = arith.addi %mul3A_2, %add3A_62 : i32
    %mul3A_64 = arith.constant 128 : i32
    %mul3A_65 = arith.muli %add3A_63, %mul3A_64 : i32
    %dma_start3A_66 = arith.constant 49152 : i32
    %dma_start3A_67 = tpu.memref_slice %arg4[%dma_start3A_66] : memref<65536xf32, #tpu.memory_space<vmem>> -> memref<8192xf32, #tpu.memory_space<vmem>>
    %dma_start3A_68 = tpu.memref_slice %arg2[%mul3A_65] : memref<2097152xf32, #tpu.memory_space<hbm>> -> memref<8192xf32, #tpu.memory_space<hbm>>
    %dma_start3A_69 = arith.constant 49152 : i32
    %dma_start3A_70 = tpu.memref_slice %arg4[%dma_start3A_69] : memref<65536xf32, #tpu.memory_space<vmem>> -> memref<8192xf32, #tpu.memory_space<vmem>>
    %dma_start3A_71 = tpu.memref_slice %arg2[%mul3A_65] : memref<2097152xf32, #tpu.memory_space<hbm>> -> memref<8192xf32, #tpu.memory_space<hbm>>
    tpu.enqueue_dma source(%dma_start3A_71 : memref<8192xf32, #tpu.memory_space<hbm>>) target(%dma_start3A_70 : memref<8192xf32, #tpu.memory_space<vmem>>) target_semaphore(%arg11 : memref<!tpu.dma_semaphore, #tpu.memory_space<semaphore_mem>>)
    %add3A_72 = arith.constant 448 : i32
    %add3A_73 = arith.addi %mul3A_2, %add3A_72 : i32
    %mul3A_74 = arith.constant 128 : i32
    %mul3A_75 = arith.muli %add3A_73, %mul3A_74 : i32
    %dma_start3A_76 = arith.constant 57344 : i32
    %dma_start3A_77 = tpu.memref_slice %arg4[%dma_start3A_76] : memref<65536xf32, #tpu.memory_space<vmem>> -> memref<8192xf32, #tpu.memory_space<vmem>>
    %dma_start3A_78 = tpu.memref_slice %arg2[%mul3A_75] : memref<2097152xf32, #tpu.memory_space<hbm>> -> memref<8192xf32, #tpu.memory_space<hbm>>
    %dma_start3A_79 = arith.constant 57344 : i32
    %dma_start3A_80 = tpu.memref_slice %arg4[%dma_start3A_79] : memref<65536xf32, #tpu.memory_space<vmem>> -> memref<8192xf32, #tpu.memory_space<vmem>>
    %dma_start3A_81 = tpu.memref_slice %arg2[%mul3A_75] : memref<2097152xf32, #tpu.memory_space<hbm>> -> memref<8192xf32, #tpu.memory_space<hbm>>
    tpu.enqueue_dma source(%dma_start3A_81 : memref<8192xf32, #tpu.memory_space<hbm>>) target(%dma_start3A_80 : memref<8192xf32, #tpu.memory_space<vmem>>) target_semaphore(%arg12 : memref<!tpu.dma_semaphore, #tpu.memory_space<semaphore_mem>>)
    %iota3A = tpu.iota {dimensions = array<i32: 0>} : vector<16xi32>
    %ge3A = arith.constant 13 : i32
    %ge3A_82 = vector.broadcast %ge3A : i32 to vector<16xi32>
    %ge3A_83 = arith.cmpi sge, %iota3A, %ge3A_82 : vector<16xi32>
    %eq3A = arith.constant 14 : i32
    %eq3A_84 = vector.broadcast %eq3A : i32 to vector<16xi32>
    %eq3A_85 = arith.cmpi eq, %iota3A, %eq3A_84 : vector<16xi32>
    %broadcast_in_dim3A = arith.constant 0.000000e+00 : f32
    %broadcast_in_dim3A_86 = vector.broadcast %broadcast_in_dim3A : f32 to vector<16xf32>
    %broadcast_in_dim3A_87 = arith.constant 1.000000e+00 : f32
    %broadcast_in_dim3A_88 = vector.broadcast %broadcast_in_dim3A_87 : f32 to vector<16xf32>
    %broadcast_in_dim3A_89 = arith.constant 0 : i32
    %broadcast_in_dim3A_90 = vector.broadcast %broadcast_in_dim3A_89 : i32 to vector<16xi32>
    %add3A_91 = arith.constant 1 : i32
    %add3A_92 = vector.broadcast %add3A_91 : i32 to vector<16xi32>
    %add3A_93 = arith.addi %broadcast_in_dim3A_90, %add3A_92 : vector<16xi32>
    %eq3A_94 = arith.constant 13 : i32
    %eq3A_95 = vector.broadcast %eq3A_94 : i32 to vector<16xi32>
    %eq3A_96 = arith.cmpi eq, %iota3A, %eq3A_95 : vector<16xi32>
    %select_n3A = arith.select %eq3A_96, %add3A_93, %broadcast_in_dim3A_90 : vector<16xi1>, vector<16xi32>
    %select_n3A_97 = arith.select %eq3A_85, %add3A_93, %broadcast_in_dim3A_90 : vector<16xi1>, vector<16xi32>
    %eq3A_98 = arith.constant 15 : i32
    %eq3A_99 = vector.broadcast %eq3A_98 : i32 to vector<16xi32>
    %eq3A_100 = arith.cmpi eq, %iota3A, %eq3A_99 : vector<16xi32>
    %select_n3A_101 = arith.select %eq3A_100, %add3A_93, %broadcast_in_dim3A_90 : vector<16xi1>, vector<16xi32>
    %sub3A = arith.subi %iota3A, %select_n3A_97 : vector<16xi32>
    %broadcast_in_dim3A_102 = vector.shape_cast %sub3A : vector<16xi32> to vector<16x1xi32>
    %sub3A_103 = arith.subi %iota3A, %select_n3A : vector<16xi32>
    %sub3A_104 = arith.subi %sub3A_103, %select_n3A_101 : vector<16xi32>
    %broadcast_in_dim3A_105 = vector.shape_cast %sub3A_104 : vector<16xi32> to vector<16x1xi32>
    %add3A_106 = arith.addi %iota3A, %select_n3A_97 : vector<16xi32>
    %broadcast_in_dim3A_107 = vector.shape_cast %add3A_106 : vector<16xi32> to vector<16x1xi32>
    %dma_wait3A = arith.constant 0 : i32
    %dma_wait3A_108 = tpu.memref_slice %arg4[%dma_wait3A] : memref<65536xf32, #tpu.memory_space<vmem>> -> memref<8192xf32, #tpu.memory_space<vmem>>
    %dma_wait3A_109 = tpu.memref_slice %arg2[%mul3A_6] : memref<2097152xf32, #tpu.memory_space<hbm>> -> memref<8192xf32, #tpu.memory_space<hbm>>
    %dma_wait3A_110 = arith.constant 0 : i32
    %dma_wait3A_111 = tpu.memref_slice %arg4[%dma_wait3A_110] : memref<65536xf32, #tpu.memory_space<vmem>> -> memref<8192xf32, #tpu.memory_space<vmem>>
    %dma_wait3A_112 = tpu.memref_slice %arg2[%mul3A_6] : memref<2097152xf32, #tpu.memory_space<hbm>> -> memref<8192xf32, #tpu.memory_space<hbm>>
    tpu.wait_dma2 semaphore(%arg5 : memref<!tpu.dma_semaphore, #tpu.memory_space<semaphore_mem>>) src(%dma_wait3A_112 : memref<8192xf32, #tpu.memory_space<hbm>>) dst(%dma_wait3A_111 : memref<8192xf32, #tpu.memory_space<vmem>>)
    %parallel_loop3A = arith.constant 0 : i32
    %parallel_loop3A_113 = arith.constant 64 : i32
    %parallel_loop3A_114 = arith.constant 1 : i32
    scf.for %parallel_loop3A_306 = %parallel_loop3A to %parallel_loop3A_113 step %parallel_loop3A_114  : i32 {
      %parallel_loop3A_307 = arith.constant 0 : i32
      %parallel_loop3A_308 = arith.addi %parallel_loop3A_307, %parallel_loop3A_306 : i32
      %parallel_loop3A_309 = arith.constant 128 : i32
      %parallel_loop3A_310 = arith.muli %parallel_loop3A_308, %parallel_loop3A_309 : i32
      %parallel_loop3A_311 = arith.constant 112 : i32
      %parallel_loop3A_312 = arith.addi %parallel_loop3A_310, %parallel_loop3A_311 : i32
      %parallel_loop3A_313 = arith.index_cast %parallel_loop3A_312 : i32 to index
      %parallel_loop3A_314 = tpu.vector_load %arg4[%parallel_loop3A_313] {strides = array<i32>} : memref<65536xf32, #tpu.memory_space<vmem>>, vector<16xf32>,
      %parallel_loop3A_315 = vector.shape_cast %parallel_loop3A_314 : vector<16xf32> to vector<16xf32>
      %parallel_loop3A_316 = vector.shape_cast %broadcast_in_dim3A_102 : vector<16x1xi32> to vector<16xi32>
      %parallel_loop3A_317 = tpu.dynamic_gather %parallel_loop3A_315[%parallel_loop3A_316] in [0] : vector<16xf32>, vector<16xi32> -> vector<16xf32>
      %parallel_loop3A_318 = vector.shape_cast %broadcast_in_dim3A_105 : vector<16x1xi32> to vector<16xi32>
      %parallel_loop3A_319 = tpu.dynamic_gather %parallel_loop3A_315[%parallel_loop3A_318] in [0] : vector<16xf32>, vector<16xi32> -> vector<16xf32>
      %parallel_loop3A_320 = vector.shape_cast %broadcast_in_dim3A_107 : vector<16x1xi32> to vector<16xi32>
      %parallel_loop3A_321 = tpu.dynamic_gather %parallel_loop3A_315[%parallel_loop3A_320] in [0] : vector<16xf32>, vector<16xi32> -> vector<16xf32>
      %parallel_loop3A_322 = arith.addf %parallel_loop3A_317, %parallel_loop3A_319 : vector<16xf32>
      %parallel_loop3A_323 = arith.select %eq3A_85, %parallel_loop3A_321, %broadcast_in_dim3A_86 : vector<16xi1>, vector<16xf32>
      %parallel_loop3A_324 = arith.addf %parallel_loop3A_322, %parallel_loop3A_323 : vector<16xf32>
      %parallel_loop3A_325 = arith.select %ge3A_83, %parallel_loop3A_317, %parallel_loop3A_315 : vector<16xi1>, vector<16xf32>
      %parallel_loop3A_326 = arith.select %ge3A_83, %parallel_loop3A_324, %broadcast_in_dim3A_88 : vector<16xi1>, vector<16xf32>
      %parallel_loop3A_327 = arith.divf %parallel_loop3A_325, %parallel_loop3A_326 : vector<16xf32>
      %parallel_loop3A_328 = arith.index_cast %parallel_loop3A_312 : i32 to index
      %parallel_loop3A_329 = tpu.vector_load %arg4[%parallel_loop3A_328] {strides = array<i32>} : memref<65536xf32, #tpu.memory_space<vmem>>, vector<16xf32>,
      %parallel_loop3A_330 = vector.shape_cast %parallel_loop3A_329 : vector<16xf32> to vector<16xf32>
      %parallel_loop3A_331 = vector.shape_cast %parallel_loop3A_327 : vector<16xf32> to vector<16xf32>
      tpu.vector_store %arg4[%parallel_loop3A_328], %parallel_loop3A_331 {strides = array<i32>} : memref<65536xf32, #tpu.memory_space<vmem>>, vector<16xf32>,
    } {sc.loop_unroll_factor = 4 : i64, sc.parallel_access}
    %add3A_115 = arith.constant 0 : i32
    %add3A_116 = arith.addi %mul3A_2, %add3A_115 : i32
    %mul3A_117 = arith.constant 128 : i32
    %mul3A_118 = arith.muli %add3A_116, %mul3A_117 : i32
    %dma_start3A_119 = arith.constant 0 : i32
    %dma_start3A_120 = tpu.memref_slice %arg4[%dma_start3A_119] : memref<65536xf32, #tpu.memory_space<vmem>> -> memref<8192xf32, #tpu.memory_space<vmem>>
    %dma_start3A_121 = tpu.memref_slice %arg3[%mul3A_118] : memref<2097152xf32, #tpu.memory_space<hbm>> -> memref<8192xf32, #tpu.memory_space<hbm>>
    %dma_start3A_122 = tpu.memref_slice %arg3[%mul3A_118] : memref<2097152xf32, #tpu.memory_space<hbm>> -> memref<8192xf32, #tpu.memory_space<hbm>>
    %dma_start3A_123 = arith.constant 0 : i32
    %dma_start3A_124 = tpu.memref_slice %arg4[%dma_start3A_123] : memref<65536xf32, #tpu.memory_space<vmem>> -> memref<8192xf32, #tpu.memory_space<vmem>>
    tpu.enqueue_dma source(%dma_start3A_124 : memref<8192xf32, #tpu.memory_space<vmem>>) target(%dma_start3A_122 : memref<8192xf32, #tpu.memory_space<hbm>>) target_semaphore(%arg13 : memref<!tpu.dma_semaphore, #tpu.memory_space<semaphore_mem>>)
    %dma_wait3A_125 = arith.constant 8192 : i32
    %dma_wait3A_126 = tpu.memref_slice %arg4[%dma_wait3A_125] : memref<65536xf32, #tpu.memory_space<vmem>> -> memref<8192xf32, #tpu.memory_space<vmem>>
    %dma_wait3A_127 = tpu.memref_slice %arg2[%mul3A_15] : memref<2097152xf32, #tpu.memory_space<hbm>> -> memref<8192xf32, #tpu.memory_space<hbm>>
    %dma_wait3A_128 = arith.constant 8192 : i32
    %dma_wait3A_129 = tpu.memref_slice %arg4[%dma_wait3A_128] : memref<65536xf32, #tpu.memory_space<vmem>> -> memref<8192xf32, #tpu.memory_space<vmem>>
    %dma_wait3A_130 = tpu.memref_slice %arg2[%mul3A_15] : memref<2097152xf32, #tpu.memory_space<hbm>> -> memref<8192xf32, #tpu.memory_space<hbm>>
    tpu.wait_dma2 semaphore(%arg6 : memref<!tpu.dma_semaphore, #tpu.memory_space<semaphore_mem>>) src(%dma_wait3A_130 : memref<8192xf32, #tpu.memory_space<hbm>>) dst(%dma_wait3A_129 : memref<8192xf32, #tpu.memory_space<vmem>>)
    %parallel_loop3A_131 = arith.constant 0 : i32
    %parallel_loop3A_132 = arith.constant 64 : i32
    %parallel_loop3A_133 = arith.constant 1 : i32
    scf.for %parallel_loop3A_306 = %parallel_loop3A_131 to %parallel_loop3A_132 step %parallel_loop3A_133  : i32 {
      %parallel_loop3A_307 = arith.constant 64 : i32
      %parallel_loop3A_308 = arith.addi %parallel_loop3A_307, %parallel_loop3A_306 : i32
      %parallel_loop3A_309 = arith.constant 128 : i32
      %parallel_loop3A_310 = arith.muli %parallel_loop3A_308, %parallel_loop3A_309 : i32
      %parallel_loop3A_311 = arith.constant 112 : i32
      %parallel_loop3A_312 = arith.addi %parallel_loop3A_310, %parallel_loop3A_311 : i32
      %parallel_loop3A_313 = arith.index_cast %parallel_loop3A_312 : i32 to index
      %parallel_loop3A_314 = tpu.vector_load %arg4[%parallel_loop3A_313] {strides = array<i32>} : memref<65536xf32, #tpu.memory_space<vmem>>, vector<16xf32>,
      %parallel_loop3A_315 = vector.shape_cast %parallel_loop3A_314 : vector<16xf32> to vector<16xf32>
      %parallel_loop3A_316 = vector.shape_cast %broadcast_in_dim3A_102 : vector<16x1xi32> to vector<16xi32>
      %parallel_loop3A_317 = tpu.dynamic_gather %parallel_loop3A_315[%parallel_loop3A_316] in [0] : vector<16xf32>, vector<16xi32> -> vector<16xf32>
      %parallel_loop3A_318 = vector.shape_cast %broadcast_in_dim3A_105 : vector<16x1xi32> to vector<16xi32>
      %parallel_loop3A_319 = tpu.dynamic_gather %parallel_loop3A_315[%parallel_loop3A_318] in [0] : vector<16xf32>, vector<16xi32> -> vector<16xf32>
      %parallel_loop3A_320 = vector.shape_cast %broadcast_in_dim3A_107 : vector<16x1xi32> to vector<16xi32>
      %parallel_loop3A_321 = tpu.dynamic_gather %parallel_loop3A_315[%parallel_loop3A_320] in [0] : vector<16xf32>, vector<16xi32> -> vector<16xf32>
      %parallel_loop3A_322 = arith.addf %parallel_loop3A_317, %parallel_loop3A_319 : vector<16xf32>
      %parallel_loop3A_323 = arith.select %eq3A_85, %parallel_loop3A_321, %broadcast_in_dim3A_86 : vector<16xi1>, vector<16xf32>
      %parallel_loop3A_324 = arith.addf %parallel_loop3A_322, %parallel_loop3A_323 : vector<16xf32>
      %parallel_loop3A_325 = arith.select %ge3A_83, %parallel_loop3A_317, %parallel_loop3A_315 : vector<16xi1>, vector<16xf32>
      %parallel_loop3A_326 = arith.select %ge3A_83, %parallel_loop3A_324, %broadcast_in_dim3A_88 : vector<16xi1>, vector<16xf32>
      %parallel_loop3A_327 = arith.divf %parallel_loop3A_325, %parallel_loop3A_326 : vector<16xf32>
      %parallel_loop3A_328 = arith.index_cast %parallel_loop3A_312 : i32 to index
      %parallel_loop3A_329 = tpu.vector_load %arg4[%parallel_loop3A_328] {strides = array<i32>} : memref<65536xf32, #tpu.memory_space<vmem>>, vector<16xf32>,
      %parallel_loop3A_330 = vector.shape_cast %parallel_loop3A_329 : vector<16xf32> to vector<16xf32>
      %parallel_loop3A_331 = vector.shape_cast %parallel_loop3A_327 : vector<16xf32> to vector<16xf32>
      tpu.vector_store %arg4[%parallel_loop3A_328], %parallel_loop3A_331 {strides = array<i32>} : memref<65536xf32, #tpu.memory_space<vmem>>, vector<16xf32>,
    } {sc.loop_unroll_factor = 4 : i64, sc.parallel_access}
    %add3A_134 = arith.constant 64 : i32
    %add3A_135 = arith.addi %mul3A_2, %add3A_134 : i32
    %mul3A_136 = arith.constant 128 : i32
    %mul3A_137 = arith.muli %add3A_135, %mul3A_136 : i32
    %dma_start3A_138 = arith.constant 8192 : i32
    %dma_start3A_139 = tpu.memref_slice %arg4[%dma_start3A_138] : memref<65536xf32, #tpu.memory_space<vmem>> -> memref<8192xf32, #tpu.memory_space<vmem>>
    %dma_start3A_140 = tpu.memref_slice %arg3[%mul3A_137] : memref<2097152xf32, #tpu.memory_space<hbm>> -> memref<8192xf32, #tpu.memory_space<hbm>>
    %dma_start3A_141 = tpu.memref_slice %arg3[%mul3A_137] : memref<2097152xf32, #tpu.memory_space<hbm>> -> memref<8192xf32, #tpu.memory_space<hbm>>
    %dma_start3A_142 = arith.constant 8192 : i32
    %dma_start3A_143 = tpu.memref_slice %arg4[%dma_start3A_142] : memref<65536xf32, #tpu.memory_space<vmem>> -> memref<8192xf32, #tpu.memory_space<vmem>>
    tpu.enqueue_dma source(%dma_start3A_143 : memref<8192xf32, #tpu.memory_space<vmem>>) target(%dma_start3A_141 : memref<8192xf32, #tpu.memory_space<hbm>>) target_semaphore(%arg14 : memref<!tpu.dma_semaphore, #tpu.memory_space<semaphore_mem>>)
    %dma_wait3A_144 = arith.constant 16384 : i32
    %dma_wait3A_145 = tpu.memref_slice %arg4[%dma_wait3A_144] : memref<65536xf32, #tpu.memory_space<vmem>> -> memref<8192xf32, #tpu.memory_space<vmem>>
    %dma_wait3A_146 = tpu.memref_slice %arg2[%mul3A_25] : memref<2097152xf32, #tpu.memory_space<hbm>> -> memref<8192xf32, #tpu.memory_space<hbm>>
    %dma_wait3A_147 = arith.constant 16384 : i32
    %dma_wait3A_148 = tpu.memref_slice %arg4[%dma_wait3A_147] : memref<65536xf32, #tpu.memory_space<vmem>> -> memref<8192xf32, #tpu.memory_space<vmem>>
    %dma_wait3A_149 = tpu.memref_slice %arg2[%mul3A_25] : memref<2097152xf32, #tpu.memory_space<hbm>> -> memref<8192xf32, #tpu.memory_space<hbm>>
    tpu.wait_dma2 semaphore(%arg7 : memref<!tpu.dma_semaphore, #tpu.memory_space<semaphore_mem>>) src(%dma_wait3A_149 : memref<8192xf32, #tpu.memory_space<hbm>>) dst(%dma_wait3A_148 : memref<8192xf32, #tpu.memory_space<vmem>>)
    %parallel_loop3A_150 = arith.constant 0 : i32
    %parallel_loop3A_151 = arith.constant 64 : i32
    %parallel_loop3A_152 = arith.constant 1 : i32
    scf.for %parallel_loop3A_306 = %parallel_loop3A_150 to %parallel_loop3A_151 step %parallel_loop3A_152  : i32 {
      %parallel_loop3A_307 = arith.constant 128 : i32
      %parallel_loop3A_308 = arith.addi %parallel_loop3A_307, %parallel_loop3A_306 : i32
      %parallel_loop3A_309 = arith.constant 128 : i32
      %parallel_loop3A_310 = arith.muli %parallel_loop3A_308, %parallel_loop3A_309 : i32
      %parallel_loop3A_311 = arith.constant 112 : i32
      %parallel_loop3A_312 = arith.addi %parallel_loop3A_310, %parallel_loop3A_311 : i32
      %parallel_loop3A_313 = arith.index_cast %parallel_loop3A_312 : i32 to index
      %parallel_loop3A_314 = tpu.vector_load %arg4[%parallel_loop3A_313] {strides = array<i32>} : memref<65536xf32, #tpu.memory_space<vmem>>, vector<16xf32>,
      %parallel_loop3A_315 = vector.shape_cast %parallel_loop3A_314 : vector<16xf32> to vector<16xf32>
      %parallel_loop3A_316 = vector.shape_cast %broadcast_in_dim3A_102 : vector<16x1xi32> to vector<16xi32>
      %parallel_loop3A_317 = tpu.dynamic_gather %parallel_loop3A_315[%parallel_loop3A_316] in [0] : vector<16xf32>, vector<16xi32> -> vector<16xf32>
      %parallel_loop3A_318 = vector.shape_cast %broadcast_in_dim3A_105 : vector<16x1xi32> to vector<16xi32>
      %parallel_loop3A_319 = tpu.dynamic_gather %parallel_loop3A_315[%parallel_loop3A_318] in [0] : vector<16xf32>, vector<16xi32> -> vector<16xf32>
      %parallel_loop3A_320 = vector.shape_cast %broadcast_in_dim3A_107 : vector<16x1xi32> to vector<16xi32>
      %parallel_loop3A_321 = tpu.dynamic_gather %parallel_loop3A_315[%parallel_loop3A_320] in [0] : vector<16xf32>, vector<16xi32> -> vector<16xf32>
      %parallel_loop3A_322 = arith.addf %parallel_loop3A_317, %parallel_loop3A_319 : vector<16xf32>
      %parallel_loop3A_323 = arith.select %eq3A_85, %parallel_loop3A_321, %broadcast_in_dim3A_86 : vector<16xi1>, vector<16xf32>
      %parallel_loop3A_324 = arith.addf %parallel_loop3A_322, %parallel_loop3A_323 : vector<16xf32>
      %parallel_loop3A_325 = arith.select %ge3A_83, %parallel_loop3A_317, %parallel_loop3A_315 : vector<16xi1>, vector<16xf32>
      %parallel_loop3A_326 = arith.select %ge3A_83, %parallel_loop3A_324, %broadcast_in_dim3A_88 : vector<16xi1>, vector<16xf32>
      %parallel_loop3A_327 = arith.divf %parallel_loop3A_325, %parallel_loop3A_326 : vector<16xf32>
      %parallel_loop3A_328 = arith.index_cast %parallel_loop3A_312 : i32 to index
      %parallel_loop3A_329 = tpu.vector_load %arg4[%parallel_loop3A_328] {strides = array<i32>} : memref<65536xf32, #tpu.memory_space<vmem>>, vector<16xf32>,
      %parallel_loop3A_330 = vector.shape_cast %parallel_loop3A_329 : vector<16xf32> to vector<16xf32>
      %parallel_loop3A_331 = vector.shape_cast %parallel_loop3A_327 : vector<16xf32> to vector<16xf32>
      tpu.vector_store %arg4[%parallel_loop3A_328], %parallel_loop3A_331 {strides = array<i32>} : memref<65536xf32, #tpu.memory_space<vmem>>, vector<16xf32>,
    } {sc.loop_unroll_factor = 4 : i64, sc.parallel_access}
    %add3A_153 = arith.constant 128 : i32
    %add3A_154 = arith.addi %mul3A_2, %add3A_153 : i32
    %mul3A_155 = arith.constant 128 : i32
    %mul3A_156 = arith.muli %add3A_154, %mul3A_155 : i32
    %dma_start3A_157 = arith.constant 16384 : i32
    %dma_start3A_158 = tpu.memref_slice %arg4[%dma_start3A_157] : memref<65536xf32, #tpu.memory_space<vmem>> -> memref<8192xf32, #tpu.memory_space<vmem>>
    %dma_start3A_159 = tpu.memref_slice %arg3[%mul3A_156] : memref<2097152xf32, #tpu.memory_space<hbm>> -> memref<8192xf32, #tpu.memory_space<hbm>>
    %dma_start3A_160 = tpu.memref_slice %arg3[%mul3A_156] : memref<2097152xf32, #tpu.memory_space<hbm>> -> memref<8192xf32, #tpu.memory_space<hbm>>
    %dma_start3A_161 = arith.constant 16384 : i32
    %dma_start3A_162 = tpu.memref_slice %arg4[%dma_start3A_161] : memref<65536xf32, #tpu.memory_space<vmem>> -> memref<8192xf32, #tpu.memory_space<vmem>>
    tpu.enqueue_dma source(%dma_start3A_162 : memref<8192xf32, #tpu.memory_space<vmem>>) target(%dma_start3A_160 : memref<8192xf32, #tpu.memory_space<hbm>>) target_semaphore(%arg15 : memref<!tpu.dma_semaphore, #tpu.memory_space<semaphore_mem>>)
    %dma_wait3A_163 = arith.constant 24576 : i32
    %dma_wait3A_164 = tpu.memref_slice %arg4[%dma_wait3A_163] : memref<65536xf32, #tpu.memory_space<vmem>> -> memref<8192xf32, #tpu.memory_space<vmem>>
    %dma_wait3A_165 = tpu.memref_slice %arg2[%mul3A_35] : memref<2097152xf32, #tpu.memory_space<hbm>> -> memref<8192xf32, #tpu.memory_space<hbm>>
    %dma_wait3A_166 = arith.constant 24576 : i32
    %dma_wait3A_167 = tpu.memref_slice %arg4[%dma_wait3A_166] : memref<65536xf32, #tpu.memory_space<vmem>> -> memref<8192xf32, #tpu.memory_space<vmem>>
    %dma_wait3A_168 = tpu.memref_slice %arg2[%mul3A_35] : memref<2097152xf32, #tpu.memory_space<hbm>> -> memref<8192xf32, #tpu.memory_space<hbm>>
    tpu.wait_dma2 semaphore(%arg8 : memref<!tpu.dma_semaphore, #tpu.memory_space<semaphore_mem>>) src(%dma_wait3A_168 : memref<8192xf32, #tpu.memory_space<hbm>>) dst(%dma_wait3A_167 : memref<8192xf32, #tpu.memory_space<vmem>>)
    %parallel_loop3A_169 = arith.constant 0 : i32
    %parallel_loop3A_170 = arith.constant 64 : i32
    %parallel_loop3A_171 = arith.constant 1 : i32
    scf.for %parallel_loop3A_306 = %parallel_loop3A_169 to %parallel_loop3A_170 step %parallel_loop3A_171  : i32 {
      %parallel_loop3A_307 = arith.constant 192 : i32
      %parallel_loop3A_308 = arith.addi %parallel_loop3A_307, %parallel_loop3A_306 : i32
      %parallel_loop3A_309 = arith.constant 128 : i32
      %parallel_loop3A_310 = arith.muli %parallel_loop3A_308, %parallel_loop3A_309 : i32
      %parallel_loop3A_311 = arith.constant 112 : i32
      %parallel_loop3A_312 = arith.addi %parallel_loop3A_310, %parallel_loop3A_311 : i32
      %parallel_loop3A_313 = arith.index_cast %parallel_loop3A_312 : i32 to index
      %parallel_loop3A_314 = tpu.vector_load %arg4[%parallel_loop3A_313] {strides = array<i32>} : memref<65536xf32, #tpu.memory_space<vmem>>, vector<16xf32>,
      %parallel_loop3A_315 = vector.shape_cast %parallel_loop3A_314 : vector<16xf32> to vector<16xf32>
      %parallel_loop3A_316 = vector.shape_cast %broadcast_in_dim3A_102 : vector<16x1xi32> to vector<16xi32>
      %parallel_loop3A_317 = tpu.dynamic_gather %parallel_loop3A_315[%parallel_loop3A_316] in [0] : vector<16xf32>, vector<16xi32> -> vector<16xf32>
      %parallel_loop3A_318 = vector.shape_cast %broadcast_in_dim3A_105 : vector<16x1xi32> to vector<16xi32>
      %parallel_loop3A_319 = tpu.dynamic_gather %parallel_loop3A_315[%parallel_loop3A_318] in [0] : vector<16xf32>, vector<16xi32> -> vector<16xf32>
      %parallel_loop3A_320 = vector.shape_cast %broadcast_in_dim3A_107 : vector<16x1xi32> to vector<16xi32>
      %parallel_loop3A_321 = tpu.dynamic_gather %parallel_loop3A_315[%parallel_loop3A_320] in [0] : vector<16xf32>, vector<16xi32> -> vector<16xf32>
      %parallel_loop3A_322 = arith.addf %parallel_loop3A_317, %parallel_loop3A_319 : vector<16xf32>
      %parallel_loop3A_323 = arith.select %eq3A_85, %parallel_loop3A_321, %broadcast_in_dim3A_86 : vector<16xi1>, vector<16xf32>
      %parallel_loop3A_324 = arith.addf %parallel_loop3A_322, %parallel_loop3A_323 : vector<16xf32>
      %parallel_loop3A_325 = arith.select %ge3A_83, %parallel_loop3A_317, %parallel_loop3A_315 : vector<16xi1>, vector<16xf32>
      %parallel_loop3A_326 = arith.select %ge3A_83, %parallel_loop3A_324, %broadcast_in_dim3A_88 : vector<16xi1>, vector<16xf32>
      %parallel_loop3A_327 = arith.divf %parallel_loop3A_325, %parallel_loop3A_326 : vector<16xf32>
      %parallel_loop3A_328 = arith.index_cast %parallel_loop3A_312 : i32 to index
      %parallel_loop3A_329 = tpu.vector_load %arg4[%parallel_loop3A_328] {strides = array<i32>} : memref<65536xf32, #tpu.memory_space<vmem>>, vector<16xf32>,
      %parallel_loop3A_330 = vector.shape_cast %parallel_loop3A_329 : vector<16xf32> to vector<16xf32>
      %parallel_loop3A_331 = vector.shape_cast %parallel_loop3A_327 : vector<16xf32> to vector<16xf32>
      tpu.vector_store %arg4[%parallel_loop3A_328], %parallel_loop3A_331 {strides = array<i32>} : memref<65536xf32, #tpu.memory_space<vmem>>, vector<16xf32>,
    } {sc.loop_unroll_factor = 4 : i64, sc.parallel_access}
    %add3A_172 = arith.constant 192 : i32
    %add3A_173 = arith.addi %mul3A_2, %add3A_172 : i32
    %mul3A_174 = arith.constant 128 : i32
    %mul3A_175 = arith.muli %add3A_173, %mul3A_174 : i32
    %dma_start3A_176 = arith.constant 24576 : i32
    %dma_start3A_177 = tpu.memref_slice %arg4[%dma_start3A_176] : memref<65536xf32, #tpu.memory_space<vmem>> -> memref<8192xf32, #tpu.memory_space<vmem>>
    %dma_start3A_178 = tpu.memref_slice %arg3[%mul3A_175] : memref<2097152xf32, #tpu.memory_space<hbm>> -> memref<8192xf32, #tpu.memory_space<hbm>>
    %dma_start3A_179 = tpu.memref_slice %arg3[%mul3A_175] : memref<2097152xf32, #tpu.memory_space<hbm>> -> memref<8192xf32, #tpu.memory_space<hbm>>
    %dma_start3A_180 = arith.constant 24576 : i32
    %dma_start3A_181 = tpu.memref_slice %arg4[%dma_start3A_180] : memref<65536xf32, #tpu.memory_space<vmem>> -> memref<8192xf32, #tpu.memory_space<vmem>>
    tpu.enqueue_dma source(%dma_start3A_181 : memref<8192xf32, #tpu.memory_space<vmem>>) target(%dma_start3A_179 : memref<8192xf32, #tpu.memory_space<hbm>>) target_semaphore(%arg16 : memref<!tpu.dma_semaphore, #tpu.memory_space<semaphore_mem>>)
    %dma_wait3A_182 = arith.constant 32768 : i32
    %dma_wait3A_183 = tpu.memref_slice %arg4[%dma_wait3A_182] : memref<65536xf32, #tpu.memory_space<vmem>> -> memref<8192xf32, #tpu.memory_space<vmem>>
    %dma_wait3A_184 = tpu.memref_slice %arg2[%mul3A_45] : memref<2097152xf32, #tpu.memory_space<hbm>> -> memref<8192xf32, #tpu.memory_space<hbm>>
    %dma_wait3A_185 = arith.constant 32768 : i32
    %dma_wait3A_186 = tpu.memref_slice %arg4[%dma_wait3A_185] : memref<65536xf32, #tpu.memory_space<vmem>> -> memref<8192xf32, #tpu.memory_space<vmem>>
    %dma_wait3A_187 = tpu.memref_slice %arg2[%mul3A_45] : memref<2097152xf32, #tpu.memory_space<hbm>> -> memref<8192xf32, #tpu.memory_space<hbm>>
    tpu.wait_dma2 semaphore(%arg9 : memref<!tpu.dma_semaphore, #tpu.memory_space<semaphore_mem>>) src(%dma_wait3A_187 : memref<8192xf32, #tpu.memory_space<hbm>>) dst(%dma_wait3A_186 : memref<8192xf32, #tpu.memory_space<vmem>>)
    %parallel_loop3A_188 = arith.constant 0 : i32
    %parallel_loop3A_189 = arith.constant 64 : i32
    %parallel_loop3A_190 = arith.constant 1 : i32
    scf.for %parallel_loop3A_306 = %parallel_loop3A_188 to %parallel_loop3A_189 step %parallel_loop3A_190  : i32 {
      %parallel_loop3A_307 = arith.constant 256 : i32
      %parallel_loop3A_308 = arith.addi %parallel_loop3A_307, %parallel_loop3A_306 : i32
      %parallel_loop3A_309 = arith.constant 128 : i32
      %parallel_loop3A_310 = arith.muli %parallel_loop3A_308, %parallel_loop3A_309 : i32
      %parallel_loop3A_311 = arith.constant 112 : i32
      %parallel_loop3A_312 = arith.addi %parallel_loop3A_310, %parallel_loop3A_311 : i32
      %parallel_loop3A_313 = arith.index_cast %parallel_loop3A_312 : i32 to index
      %parallel_loop3A_314 = tpu.vector_load %arg4[%parallel_loop3A_313] {strides = array<i32>} : memref<65536xf32, #tpu.memory_space<vmem>>, vector<16xf32>,
      %parallel_loop3A_315 = vector.shape_cast %parallel_loop3A_314 : vector<16xf32> to vector<16xf32>
      %parallel_loop3A_316 = vector.shape_cast %broadcast_in_dim3A_102 : vector<16x1xi32> to vector<16xi32>
      %parallel_loop3A_317 = tpu.dynamic_gather %parallel_loop3A_315[%parallel_loop3A_316] in [0] : vector<16xf32>, vector<16xi32> -> vector<16xf32>
      %parallel_loop3A_318 = vector.shape_cast %broadcast_in_dim3A_105 : vector<16x1xi32> to vector<16xi32>
      %parallel_loop3A_319 = tpu.dynamic_gather %parallel_loop3A_315[%parallel_loop3A_318] in [0] : vector<16xf32>, vector<16xi32> -> vector<16xf32>
      %parallel_loop3A_320 = vector.shape_cast %broadcast_in_dim3A_107 : vector<16x1xi32> to vector<16xi32>
      %parallel_loop3A_321 = tpu.dynamic_gather %parallel_loop3A_315[%parallel_loop3A_320] in [0] : vector<16xf32>, vector<16xi32> -> vector<16xf32>
      %parallel_loop3A_322 = arith.addf %parallel_loop3A_317, %parallel_loop3A_319 : vector<16xf32>
      %parallel_loop3A_323 = arith.select %eq3A_85, %parallel_loop3A_321, %broadcast_in_dim3A_86 : vector<16xi1>, vector<16xf32>
      %parallel_loop3A_324 = arith.addf %parallel_loop3A_322, %parallel_loop3A_323 : vector<16xf32>
      %parallel_loop3A_325 = arith.select %ge3A_83, %parallel_loop3A_317, %parallel_loop3A_315 : vector<16xi1>, vector<16xf32>
      %parallel_loop3A_326 = arith.select %ge3A_83, %parallel_loop3A_324, %broadcast_in_dim3A_88 : vector<16xi1>, vector<16xf32>
      %parallel_loop3A_327 = arith.divf %parallel_loop3A_325, %parallel_loop3A_326 : vector<16xf32>
      %parallel_loop3A_328 = arith.index_cast %parallel_loop3A_312 : i32 to index
      %parallel_loop3A_329 = tpu.vector_load %arg4[%parallel_loop3A_328] {strides = array<i32>} : memref<65536xf32, #tpu.memory_space<vmem>>, vector<16xf32>,
      %parallel_loop3A_330 = vector.shape_cast %parallel_loop3A_329 : vector<16xf32> to vector<16xf32>
      %parallel_loop3A_331 = vector.shape_cast %parallel_loop3A_327 : vector<16xf32> to vector<16xf32>
      tpu.vector_store %arg4[%parallel_loop3A_328], %parallel_loop3A_331 {strides = array<i32>} : memref<65536xf32, #tpu.memory_space<vmem>>, vector<16xf32>,
    } {sc.loop_unroll_factor = 4 : i64, sc.parallel_access}
    %add3A_191 = arith.constant 256 : i32
    %add3A_192 = arith.addi %mul3A_2, %add3A_191 : i32
    %mul3A_193 = arith.constant 128 : i32
    %mul3A_194 = arith.muli %add3A_192, %mul3A_193 : i32
    %dma_start3A_195 = arith.constant 32768 : i32
    %dma_start3A_196 = tpu.memref_slice %arg4[%dma_start3A_195] : memref<65536xf32, #tpu.memory_space<vmem>> -> memref<8192xf32, #tpu.memory_space<vmem>>
    %dma_start3A_197 = tpu.memref_slice %arg3[%mul3A_194] : memref<2097152xf32, #tpu.memory_space<hbm>> -> memref<8192xf32, #tpu.memory_space<hbm>>
    %dma_start3A_198 = tpu.memref_slice %arg3[%mul3A_194] : memref<2097152xf32, #tpu.memory_space<hbm>> -> memref<8192xf32, #tpu.memory_space<hbm>>
    %dma_start3A_199 = arith.constant 32768 : i32
    %dma_start3A_200 = tpu.memref_slice %arg4[%dma_start3A_199] : memref<65536xf32, #tpu.memory_space<vmem>> -> memref<8192xf32, #tpu.memory_space<vmem>>
    tpu.enqueue_dma source(%dma_start3A_200 : memref<8192xf32, #tpu.memory_space<vmem>>) target(%dma_start3A_198 : memref<8192xf32, #tpu.memory_space<hbm>>) target_semaphore(%arg17 : memref<!tpu.dma_semaphore, #tpu.memory_space<semaphore_mem>>)
    %dma_wait3A_201 = arith.constant 40960 : i32
    %dma_wait3A_202 = tpu.memref_slice %arg4[%dma_wait3A_201] : memref<65536xf32, #tpu.memory_space<vmem>> -> memref<8192xf32, #tpu.memory_space<vmem>>
    %dma_wait3A_203 = tpu.memref_slice %arg2[%mul3A_55] : memref<2097152xf32, #tpu.memory_space<hbm>> -> memref<8192xf32, #tpu.memory_space<hbm>>
    %dma_wait3A_204 = arith.constant 40960 : i32
    %dma_wait3A_205 = tpu.memref_slice %arg4[%dma_wait3A_204] : memref<65536xf32, #tpu.memory_space<vmem>> -> memref<8192xf32, #tpu.memory_space<vmem>>
    %dma_wait3A_206 = tpu.memref_slice %arg2[%mul3A_55] : memref<2097152xf32, #tpu.memory_space<hbm>> -> memref<8192xf32, #tpu.memory_space<hbm>>
    tpu.wait_dma2 semaphore(%arg10 : memref<!tpu.dma_semaphore, #tpu.memory_space<semaphore_mem>>) src(%dma_wait3A_206 : memref<8192xf32, #tpu.memory_space<hbm>>) dst(%dma_wait3A_205 : memref<8192xf32, #tpu.memory_space<vmem>>)
    %parallel_loop3A_207 = arith.constant 0 : i32
    %parallel_loop3A_208 = arith.constant 64 : i32
    %parallel_loop3A_209 = arith.constant 1 : i32
    scf.for %parallel_loop3A_306 = %parallel_loop3A_207 to %parallel_loop3A_208 step %parallel_loop3A_209  : i32 {
      %parallel_loop3A_307 = arith.constant 320 : i32
      %parallel_loop3A_308 = arith.addi %parallel_loop3A_307, %parallel_loop3A_306 : i32
      %parallel_loop3A_309 = arith.constant 128 : i32
      %parallel_loop3A_310 = arith.muli %parallel_loop3A_308, %parallel_loop3A_309 : i32
      %parallel_loop3A_311 = arith.constant 112 : i32
      %parallel_loop3A_312 = arith.addi %parallel_loop3A_310, %parallel_loop3A_311 : i32
      %parallel_loop3A_313 = arith.index_cast %parallel_loop3A_312 : i32 to index
      %parallel_loop3A_314 = tpu.vector_load %arg4[%parallel_loop3A_313] {strides = array<i32>} : memref<65536xf32, #tpu.memory_space<vmem>>, vector<16xf32>,
      %parallel_loop3A_315 = vector.shape_cast %parallel_loop3A_314 : vector<16xf32> to vector<16xf32>
      %parallel_loop3A_316 = vector.shape_cast %broadcast_in_dim3A_102 : vector<16x1xi32> to vector<16xi32>
      %parallel_loop3A_317 = tpu.dynamic_gather %parallel_loop3A_315[%parallel_loop3A_316] in [0] : vector<16xf32>, vector<16xi32> -> vector<16xf32>
      %parallel_loop3A_318 = vector.shape_cast %broadcast_in_dim3A_105 : vector<16x1xi32> to vector<16xi32>
      %parallel_loop3A_319 = tpu.dynamic_gather %parallel_loop3A_315[%parallel_loop3A_318] in [0] : vector<16xf32>, vector<16xi32> -> vector<16xf32>
      %parallel_loop3A_320 = vector.shape_cast %broadcast_in_dim3A_107 : vector<16x1xi32> to vector<16xi32>
      %parallel_loop3A_321 = tpu.dynamic_gather %parallel_loop3A_315[%parallel_loop3A_320] in [0] : vector<16xf32>, vector<16xi32> -> vector<16xf32>
      %parallel_loop3A_322 = arith.addf %parallel_loop3A_317, %parallel_loop3A_319 : vector<16xf32>
      %parallel_loop3A_323 = arith.select %eq3A_85, %parallel_loop3A_321, %broadcast_in_dim3A_86 : vector<16xi1>, vector<16xf32>
      %parallel_loop3A_324 = arith.addf %parallel_loop3A_322, %parallel_loop3A_323 : vector<16xf32>
      %parallel_loop3A_325 = arith.select %ge3A_83, %parallel_loop3A_317, %parallel_loop3A_315 : vector<16xi1>, vector<16xf32>
      %parallel_loop3A_326 = arith.select %ge3A_83, %parallel_loop3A_324, %broadcast_in_dim3A_88 : vector<16xi1>, vector<16xf32>
      %parallel_loop3A_327 = arith.divf %parallel_loop3A_325, %parallel_loop3A_326 : vector<16xf32>
      %parallel_loop3A_328 = arith.index_cast %parallel_loop3A_312 : i32 to index
      %parallel_loop3A_329 = tpu.vector_load %arg4[%parallel_loop3A_328] {strides = array<i32>} : memref<65536xf32, #tpu.memory_space<vmem>>, vector<16xf32>,
      %parallel_loop3A_330 = vector.shape_cast %parallel_loop3A_329 : vector<16xf32> to vector<16xf32>
      %parallel_loop3A_331 = vector.shape_cast %parallel_loop3A_327 : vector<16xf32> to vector<16xf32>
      tpu.vector_store %arg4[%parallel_loop3A_328], %parallel_loop3A_331 {strides = array<i32>} : memref<65536xf32, #tpu.memory_space<vmem>>, vector<16xf32>,
    } {sc.loop_unroll_factor = 4 : i64, sc.parallel_access}
    %add3A_210 = arith.constant 320 : i32
    %add3A_211 = arith.addi %mul3A_2, %add3A_210 : i32
    %mul3A_212 = arith.constant 128 : i32
    %mul3A_213 = arith.muli %add3A_211, %mul3A_212 : i32
    %dma_start3A_214 = arith.constant 40960 : i32
    %dma_start3A_215 = tpu.memref_slice %arg4[%dma_start3A_214] : memref<65536xf32, #tpu.memory_space<vmem>> -> memref<8192xf32, #tpu.memory_space<vmem>>
    %dma_start3A_216 = tpu.memref_slice %arg3[%mul3A_213] : memref<2097152xf32, #tpu.memory_space<hbm>> -> memref<8192xf32, #tpu.memory_space<hbm>>
    %dma_start3A_217 = tpu.memref_slice %arg3[%mul3A_213] : memref<2097152xf32, #tpu.memory_space<hbm>> -> memref<8192xf32, #tpu.memory_space<hbm>>
    %dma_start3A_218 = arith.constant 40960 : i32
    %dma_start3A_219 = tpu.memref_slice %arg4[%dma_start3A_218] : memref<65536xf32, #tpu.memory_space<vmem>> -> memref<8192xf32, #tpu.memory_space<vmem>>
    tpu.enqueue_dma source(%dma_start3A_219 : memref<8192xf32, #tpu.memory_space<vmem>>) target(%dma_start3A_217 : memref<8192xf32, #tpu.memory_space<hbm>>) target_semaphore(%arg18 : memref<!tpu.dma_semaphore, #tpu.memory_space<semaphore_mem>>)
    %dma_wait3A_220 = arith.constant 49152 : i32
    %dma_wait3A_221 = tpu.memref_slice %arg4[%dma_wait3A_220] : memref<65536xf32, #tpu.memory_space<vmem>> -> memref<8192xf32, #tpu.memory_space<vmem>>
    %dma_wait3A_222 = tpu.memref_slice %arg2[%mul3A_65] : memref<2097152xf32, #tpu.memory_space<hbm>> -> memref<8192xf32, #tpu.memory_space<hbm>>
    %dma_wait3A_223 = arith.constant 49152 : i32
    %dma_wait3A_224 = tpu.memref_slice %arg4[%dma_wait3A_223] : memref<65536xf32, #tpu.memory_space<vmem>> -> memref<8192xf32, #tpu.memory_space<vmem>>
    %dma_wait3A_225 = tpu.memref_slice %arg2[%mul3A_65] : memref<2097152xf32, #tpu.memory_space<hbm>> -> memref<8192xf32, #tpu.memory_space<hbm>>
    tpu.wait_dma2 semaphore(%arg11 : memref<!tpu.dma_semaphore, #tpu.memory_space<semaphore_mem>>) src(%dma_wait3A_225 : memref<8192xf32, #tpu.memory_space<hbm>>) dst(%dma_wait3A_224 : memref<8192xf32, #tpu.memory_space<vmem>>)
    %parallel_loop3A_226 = arith.constant 0 : i32
    %parallel_loop3A_227 = arith.constant 64 : i32
    %parallel_loop3A_228 = arith.constant 1 : i32
    scf.for %parallel_loop3A_306 = %parallel_loop3A_226 to %parallel_loop3A_227 step %parallel_loop3A_228  : i32 {
      %parallel_loop3A_307 = arith.constant 384 : i32
      %parallel_loop3A_308 = arith.addi %parallel_loop3A_307, %parallel_loop3A_306 : i32
      %parallel_loop3A_309 = arith.constant 128 : i32
      %parallel_loop3A_310 = arith.muli %parallel_loop3A_308, %parallel_loop3A_309 : i32
      %parallel_loop3A_311 = arith.constant 112 : i32
      %parallel_loop3A_312 = arith.addi %parallel_loop3A_310, %parallel_loop3A_311 : i32
      %parallel_loop3A_313 = arith.index_cast %parallel_loop3A_312 : i32 to index
      %parallel_loop3A_314 = tpu.vector_load %arg4[%parallel_loop3A_313] {strides = array<i32>} : memref<65536xf32, #tpu.memory_space<vmem>>, vector<16xf32>,
      %parallel_loop3A_315 = vector.shape_cast %parallel_loop3A_314 : vector<16xf32> to vector<16xf32>
      %parallel_loop3A_316 = vector.shape_cast %broadcast_in_dim3A_102 : vector<16x1xi32> to vector<16xi32>
      %parallel_loop3A_317 = tpu.dynamic_gather %parallel_loop3A_315[%parallel_loop3A_316] in [0] : vector<16xf32>, vector<16xi32> -> vector<16xf32>
      %parallel_loop3A_318 = vector.shape_cast %broadcast_in_dim3A_105 : vector<16x1xi32> to vector<16xi32>
      %parallel_loop3A_319 = tpu.dynamic_gather %parallel_loop3A_315[%parallel_loop3A_318] in [0] : vector<16xf32>, vector<16xi32> -> vector<16xf32>
      %parallel_loop3A_320 = vector.shape_cast %broadcast_in_dim3A_107 : vector<16x1xi32> to vector<16xi32>
      %parallel_loop3A_321 = tpu.dynamic_gather %parallel_loop3A_315[%parallel_loop3A_320] in [0] : vector<16xf32>, vector<16xi32> -> vector<16xf32>
      %parallel_loop3A_322 = arith.addf %parallel_loop3A_317, %parallel_loop3A_319 : vector<16xf32>
      %parallel_loop3A_323 = arith.select %eq3A_85, %parallel_loop3A_321, %broadcast_in_dim3A_86 : vector<16xi1>, vector<16xf32>
      %parallel_loop3A_324 = arith.addf %parallel_loop3A_322, %parallel_loop3A_323 : vector<16xf32>
      %parallel_loop3A_325 = arith.select %ge3A_83, %parallel_loop3A_317, %parallel_loop3A_315 : vector<16xi1>, vector<16xf32>
      %parallel_loop3A_326 = arith.select %ge3A_83, %parallel_loop3A_324, %broadcast_in_dim3A_88 : vector<16xi1>, vector<16xf32>
      %parallel_loop3A_327 = arith.divf %parallel_loop3A_325, %parallel_loop3A_326 : vector<16xf32>
      %parallel_loop3A_328 = arith.index_cast %parallel_loop3A_312 : i32 to index
      %parallel_loop3A_329 = tpu.vector_load %arg4[%parallel_loop3A_328] {strides = array<i32>} : memref<65536xf32, #tpu.memory_space<vmem>>, vector<16xf32>,
      %parallel_loop3A_330 = vector.shape_cast %parallel_loop3A_329 : vector<16xf32> to vector<16xf32>
      %parallel_loop3A_331 = vector.shape_cast %parallel_loop3A_327 : vector<16xf32> to vector<16xf32>
      tpu.vector_store %arg4[%parallel_loop3A_328], %parallel_loop3A_331 {strides = array<i32>} : memref<65536xf32, #tpu.memory_space<vmem>>, vector<16xf32>,
    } {sc.loop_unroll_factor = 4 : i64, sc.parallel_access}
    %add3A_229 = arith.constant 384 : i32
    %add3A_230 = arith.addi %mul3A_2, %add3A_229 : i32
    %mul3A_231 = arith.constant 128 : i32
    %mul3A_232 = arith.muli %add3A_230, %mul3A_231 : i32
    %dma_start3A_233 = arith.constant 49152 : i32
    %dma_start3A_234 = tpu.memref_slice %arg4[%dma_start3A_233] : memref<65536xf32, #tpu.memory_space<vmem>> -> memref<8192xf32, #tpu.memory_space<vmem>>
    %dma_start3A_235 = tpu.memref_slice %arg3[%mul3A_232] : memref<2097152xf32, #tpu.memory_space<hbm>> -> memref<8192xf32, #tpu.memory_space<hbm>>
    %dma_start3A_236 = tpu.memref_slice %arg3[%mul3A_232] : memref<2097152xf32, #tpu.memory_space<hbm>> -> memref<8192xf32, #tpu.memory_space<hbm>>
    %dma_start3A_237 = arith.constant 49152 : i32
    %dma_start3A_238 = tpu.memref_slice %arg4[%dma_start3A_237] : memref<65536xf32, #tpu.memory_space<vmem>> -> memref<8192xf32, #tpu.memory_space<vmem>>
    tpu.enqueue_dma source(%dma_start3A_238 : memref<8192xf32, #tpu.memory_space<vmem>>) target(%dma_start3A_236 : memref<8192xf32, #tpu.memory_space<hbm>>) target_semaphore(%arg19 : memref<!tpu.dma_semaphore, #tpu.memory_space<semaphore_mem>>)
    %dma_wait3A_239 = arith.constant 57344 : i32
    %dma_wait3A_240 = tpu.memref_slice %arg4[%dma_wait3A_239] : memref<65536xf32, #tpu.memory_space<vmem>> -> memref<8192xf32, #tpu.memory_space<vmem>>
    %dma_wait3A_241 = tpu.memref_slice %arg2[%mul3A_75] : memref<2097152xf32, #tpu.memory_space<hbm>> -> memref<8192xf32, #tpu.memory_space<hbm>>
    %dma_wait3A_242 = arith.constant 57344 : i32
    %dma_wait3A_243 = tpu.memref_slice %arg4[%dma_wait3A_242] : memref<65536xf32, #tpu.memory_space<vmem>> -> memref<8192xf32, #tpu.memory_space<vmem>>
    %dma_wait3A_244 = tpu.memref_slice %arg2[%mul3A_75] : memref<2097152xf32, #tpu.memory_space<hbm>> -> memref<8192xf32, #tpu.memory_space<hbm>>
    tpu.wait_dma2 semaphore(%arg12 : memref<!tpu.dma_semaphore, #tpu.memory_space<semaphore_mem>>) src(%dma_wait3A_244 : memref<8192xf32, #tpu.memory_space<hbm>>) dst(%dma_wait3A_243 : memref<8192xf32, #tpu.memory_space<vmem>>)
    %parallel_loop3A_245 = arith.constant 0 : i32
    %parallel_loop3A_246 = arith.constant 64 : i32
    %parallel_loop3A_247 = arith.constant 1 : i32
    scf.for %parallel_loop3A_306 = %parallel_loop3A_245 to %parallel_loop3A_246 step %parallel_loop3A_247  : i32 {
      %parallel_loop3A_307 = arith.constant 448 : i32
      %parallel_loop3A_308 = arith.addi %parallel_loop3A_307, %parallel_loop3A_306 : i32
      %parallel_loop3A_309 = arith.constant 128 : i32
      %parallel_loop3A_310 = arith.muli %parallel_loop3A_308, %parallel_loop3A_309 : i32
      %parallel_loop3A_311 = arith.constant 112 : i32
      %parallel_loop3A_312 = arith.addi %parallel_loop3A_310, %parallel_loop3A_311 : i32
      %parallel_loop3A_313 = arith.index_cast %parallel_loop3A_312 : i32 to index
      %parallel_loop3A_314 = tpu.vector_load %arg4[%parallel_loop3A_313] {strides = array<i32>} : memref<65536xf32, #tpu.memory_space<vmem>>, vector<16xf32>,
      %parallel_loop3A_315 = vector.shape_cast %parallel_loop3A_314 : vector<16xf32> to vector<16xf32>
      %parallel_loop3A_316 = vector.shape_cast %broadcast_in_dim3A_102 : vector<16x1xi32> to vector<16xi32>
      %parallel_loop3A_317 = tpu.dynamic_gather %parallel_loop3A_315[%parallel_loop3A_316] in [0] : vector<16xf32>, vector<16xi32> -> vector<16xf32>
      %parallel_loop3A_318 = vector.shape_cast %broadcast_in_dim3A_105 : vector<16x1xi32> to vector<16xi32>
      %parallel_loop3A_319 = tpu.dynamic_gather %parallel_loop3A_315[%parallel_loop3A_318] in [0] : vector<16xf32>, vector<16xi32> -> vector<16xf32>
      %parallel_loop3A_320 = vector.shape_cast %broadcast_in_dim3A_107 : vector<16x1xi32> to vector<16xi32>
      %parallel_loop3A_321 = tpu.dynamic_gather %parallel_loop3A_315[%parallel_loop3A_320] in [0] : vector<16xf32>, vector<16xi32> -> vector<16xf32>
      %parallel_loop3A_322 = arith.addf %parallel_loop3A_317, %parallel_loop3A_319 : vector<16xf32>
      %parallel_loop3A_323 = arith.select %eq3A_85, %parallel_loop3A_321, %broadcast_in_dim3A_86 : vector<16xi1>, vector<16xf32>
      %parallel_loop3A_324 = arith.addf %parallel_loop3A_322, %parallel_loop3A_323 : vector<16xf32>
      %parallel_loop3A_325 = arith.select %ge3A_83, %parallel_loop3A_317, %parallel_loop3A_315 : vector<16xi1>, vector<16xf32>
      %parallel_loop3A_326 = arith.select %ge3A_83, %parallel_loop3A_324, %broadcast_in_dim3A_88 : vector<16xi1>, vector<16xf32>
      %parallel_loop3A_327 = arith.divf %parallel_loop3A_325, %parallel_loop3A_326 : vector<16xf32>
      %parallel_loop3A_328 = arith.index_cast %parallel_loop3A_312 : i32 to index
      %parallel_loop3A_329 = tpu.vector_load %arg4[%parallel_loop3A_328] {strides = array<i32>} : memref<65536xf32, #tpu.memory_space<vmem>>, vector<16xf32>,
      %parallel_loop3A_330 = vector.shape_cast %parallel_loop3A_329 : vector<16xf32> to vector<16xf32>
      %parallel_loop3A_331 = vector.shape_cast %parallel_loop3A_327 : vector<16xf32> to vector<16xf32>
      tpu.vector_store %arg4[%parallel_loop3A_328], %parallel_loop3A_331 {strides = array<i32>} : memref<65536xf32, #tpu.memory_space<vmem>>, vector<16xf32>,
    } {sc.loop_unroll_factor = 4 : i64, sc.parallel_access}
    %add3A_248 = arith.constant 448 : i32
    %add3A_249 = arith.addi %mul3A_2, %add3A_248 : i32
    %mul3A_250 = arith.constant 128 : i32
    %mul3A_251 = arith.muli %add3A_249, %mul3A_250 : i32
    %dma_start3A_252 = arith.constant 57344 : i32
    %dma_start3A_253 = tpu.memref_slice %arg4[%dma_start3A_252] : memref<65536xf32, #tpu.memory_space<vmem>> -> memref<8192xf32, #tpu.memory_space<vmem>>
    %dma_start3A_254 = tpu.memref_slice %arg3[%mul3A_251] : memref<2097152xf32, #tpu.memory_space<hbm>> -> memref<8192xf32, #tpu.memory_space<hbm>>
    %dma_start3A_255 = tpu.memref_slice %arg3[%mul3A_251] : memref<2097152xf32, #tpu.memory_space<hbm>> -> memref<8192xf32, #tpu.memory_space<hbm>>
    %dma_start3A_256 = arith.constant 57344 : i32
    %dma_start3A_257 = tpu.memref_slice %arg4[%dma_start3A_256] : memref<65536xf32, #tpu.memory_space<vmem>> -> memref<8192xf32, #tpu.memory_space<vmem>>
    tpu.enqueue_dma source(%dma_start3A_257 : memref<8192xf32, #tpu.memory_space<vmem>>) target(%dma_start3A_255 : memref<8192xf32, #tpu.memory_space<hbm>>) target_semaphore(%arg20 : memref<!tpu.dma_semaphore, #tpu.memory_space<semaphore_mem>>)
    %dma_wait3A_258 = arith.constant 0 : i32
    %dma_wait3A_259 = tpu.memref_slice %arg4[%dma_wait3A_258] : memref<65536xf32, #tpu.memory_space<vmem>> -> memref<8192xf32, #tpu.memory_space<vmem>>
    %dma_wait3A_260 = tpu.memref_slice %arg3[%mul3A_118] : memref<2097152xf32, #tpu.memory_space<hbm>> -> memref<8192xf32, #tpu.memory_space<hbm>>
    %dma_wait3A_261 = tpu.memref_slice %arg3[%mul3A_118] : memref<2097152xf32, #tpu.memory_space<hbm>> -> memref<8192xf32, #tpu.memory_space<hbm>>
    %dma_wait3A_262 = arith.constant 0 : i32
    %dma_wait3A_263 = tpu.memref_slice %arg4[%dma_wait3A_262] : memref<65536xf32, #tpu.memory_space<vmem>> -> memref<8192xf32, #tpu.memory_space<vmem>>
    tpu.wait_dma2 semaphore(%arg13 : memref<!tpu.dma_semaphore, #tpu.memory_space<semaphore_mem>>) src(%dma_wait3A_263 : memref<8192xf32, #tpu.memory_space<vmem>>) dst(%dma_wait3A_261 : memref<8192xf32, #tpu.memory_space<hbm>>)
    %dma_wait3A_264 = arith.constant 8192 : i32
    %dma_wait3A_265 = tpu.memref_slice %arg4[%dma_wait3A_264] : memref<65536xf32, #tpu.memory_space<vmem>> -> memref<8192xf32, #tpu.memory_space<vmem>>
    %dma_wait3A_266 = tpu.memref_slice %arg3[%mul3A_137] : memref<2097152xf32, #tpu.memory_space<hbm>> -> memref<8192xf32, #tpu.memory_space<hbm>>
    %dma_wait3A_267 = tpu.memref_slice %arg3[%mul3A_137] : memref<2097152xf32, #tpu.memory_space<hbm>> -> memref<8192xf32, #tpu.memory_space<hbm>>
    %dma_wait3A_268 = arith.constant 8192 : i32
    %dma_wait3A_269 = tpu.memref_slice %arg4[%dma_wait3A_268] : memref<65536xf32, #tpu.memory_space<vmem>> -> memref<8192xf32, #tpu.memory_space<vmem>>
    tpu.wait_dma2 semaphore(%arg14 : memref<!tpu.dma_semaphore, #tpu.memory_space<semaphore_mem>>) src(%dma_wait3A_269 : memref<8192xf32, #tpu.memory_space<vmem>>) dst(%dma_wait3A_267 : memref<8192xf32, #tpu.memory_space<hbm>>)
    %dma_wait3A_270 = arith.constant 16384 : i32
    %dma_wait3A_271 = tpu.memref_slice %arg4[%dma_wait3A_270] : memref<65536xf32, #tpu.memory_space<vmem>> -> memref<8192xf32, #tpu.memory_space<vmem>>
    %dma_wait3A_272 = tpu.memref_slice %arg3[%mul3A_156] : memref<2097152xf32, #tpu.memory_space<hbm>> -> memref<8192xf32, #tpu.memory_space<hbm>>
    %dma_wait3A_273 = tpu.memref_slice %arg3[%mul3A_156] : memref<2097152xf32, #tpu.memory_space<hbm>> -> memref<8192xf32, #tpu.memory_space<hbm>>
    %dma_wait3A_274 = arith.constant 16384 : i32
    %dma_wait3A_275 = tpu.memref_slice %arg4[%dma_wait3A_274] : memref<65536xf32, #tpu.memory_space<vmem>> -> memref<8192xf32, #tpu.memory_space<vmem>>
    tpu.wait_dma2 semaphore(%arg15 : memref<!tpu.dma_semaphore, #tpu.memory_space<semaphore_mem>>) src(%dma_wait3A_275 : memref<8192xf32, #tpu.memory_space<vmem>>) dst(%dma_wait3A_273 : memref<8192xf32, #tpu.memory_space<hbm>>)
    %dma_wait3A_276 = arith.constant 24576 : i32
    %dma_wait3A_277 = tpu.memref_slice %arg4[%dma_wait3A_276] : memref<65536xf32, #tpu.memory_space<vmem>> -> memref<8192xf32, #tpu.memory_space<vmem>>
    %dma_wait3A_278 = tpu.memref_slice %arg3[%mul3A_175] : memref<2097152xf32, #tpu.memory_space<hbm>> -> memref<8192xf32, #tpu.memory_space<hbm>>
    %dma_wait3A_279 = tpu.memref_slice %arg3[%mul3A_175] : memref<2097152xf32, #tpu.memory_space<hbm>> -> memref<8192xf32, #tpu.memory_space<hbm>>
    %dma_wait3A_280 = arith.constant 24576 : i32
    %dma_wait3A_281 = tpu.memref_slice %arg4[%dma_wait3A_280] : memref<65536xf32, #tpu.memory_space<vmem>> -> memref<8192xf32, #tpu.memory_space<vmem>>
    tpu.wait_dma2 semaphore(%arg16 : memref<!tpu.dma_semaphore, #tpu.memory_space<semaphore_mem>>) src(%dma_wait3A_281 : memref<8192xf32, #tpu.memory_space<vmem>>) dst(%dma_wait3A_279 : memref<8192xf32, #tpu.memory_space<hbm>>)
    %dma_wait3A_282 = arith.constant 32768 : i32
    %dma_wait3A_283 = tpu.memref_slice %arg4[%dma_wait3A_282] : memref<65536xf32, #tpu.memory_space<vmem>> -> memref<8192xf32, #tpu.memory_space<vmem>>
    %dma_wait3A_284 = tpu.memref_slice %arg3[%mul3A_194] : memref<2097152xf32, #tpu.memory_space<hbm>> -> memref<8192xf32, #tpu.memory_space<hbm>>
    %dma_wait3A_285 = tpu.memref_slice %arg3[%mul3A_194] : memref<2097152xf32, #tpu.memory_space<hbm>> -> memref<8192xf32, #tpu.memory_space<hbm>>
    %dma_wait3A_286 = arith.constant 32768 : i32
    %dma_wait3A_287 = tpu.memref_slice %arg4[%dma_wait3A_286] : memref<65536xf32, #tpu.memory_space<vmem>> -> memref<8192xf32, #tpu.memory_space<vmem>>
    tpu.wait_dma2 semaphore(%arg17 : memref<!tpu.dma_semaphore, #tpu.memory_space<semaphore_mem>>) src(%dma_wait3A_287 : memref<8192xf32, #tpu.memory_space<vmem>>) dst(%dma_wait3A_285 : memref<8192xf32, #tpu.memory_space<hbm>>)
    %dma_wait3A_288 = arith.constant 40960 : i32
    %dma_wait3A_289 = tpu.memref_slice %arg4[%dma_wait3A_288] : memref<65536xf32, #tpu.memory_space<vmem>> -> memref<8192xf32, #tpu.memory_space<vmem>>
    %dma_wait3A_290 = tpu.memref_slice %arg3[%mul3A_213] : memref<2097152xf32, #tpu.memory_space<hbm>> -> memref<8192xf32, #tpu.memory_space<hbm>>
    %dma_wait3A_291 = tpu.memref_slice %arg3[%mul3A_213] : memref<2097152xf32, #tpu.memory_space<hbm>> -> memref<8192xf32, #tpu.memory_space<hbm>>
    %dma_wait3A_292 = arith.constant 40960 : i32
    %dma_wait3A_293 = tpu.memref_slice %arg4[%dma_wait3A_292] : memref<65536xf32, #tpu.memory_space<vmem>> -> memref<8192xf32, #tpu.memory_space<vmem>>
    tpu.wait_dma2 semaphore(%arg18 : memref<!tpu.dma_semaphore, #tpu.memory_space<semaphore_mem>>) src(%dma_wait3A_293 : memref<8192xf32, #tpu.memory_space<vmem>>) dst(%dma_wait3A_291 : memref<8192xf32, #tpu.memory_space<hbm>>)
    %dma_wait3A_294 = arith.constant 49152 : i32
    %dma_wait3A_295 = tpu.memref_slice %arg4[%dma_wait3A_294] : memref<65536xf32, #tpu.memory_space<vmem>> -> memref<8192xf32, #tpu.memory_space<vmem>>
    %dma_wait3A_296 = tpu.memref_slice %arg3[%mul3A_232] : memref<2097152xf32, #tpu.memory_space<hbm>> -> memref<8192xf32, #tpu.memory_space<hbm>>
    %dma_wait3A_297 = tpu.memref_slice %arg3[%mul3A_232] : memref<2097152xf32, #tpu.memory_space<hbm>> -> memref<8192xf32, #tpu.memory_space<hbm>>
    %dma_wait3A_298 = arith.constant 49152 : i32
    %dma_wait3A_299 = tpu.memref_slice %arg4[%dma_wait3A_298] : memref<65536xf32, #tpu.memory_space<vmem>> -> memref<8192xf32, #tpu.memory_space<vmem>>
    tpu.wait_dma2 semaphore(%arg19 : memref<!tpu.dma_semaphore, #tpu.memory_space<semaphore_mem>>) src(%dma_wait3A_299 : memref<8192xf32, #tpu.memory_space<vmem>>) dst(%dma_wait3A_297 : memref<8192xf32, #tpu.memory_space<hbm>>)
    %dma_wait3A_300 = arith.constant 57344 : i32
    %dma_wait3A_301 = tpu.memref_slice %arg4[%dma_wait3A_300] : memref<65536xf32, #tpu.memory_space<vmem>> -> memref<8192xf32, #tpu.memory_space<vmem>>
    %dma_wait3A_302 = tpu.memref_slice %arg3[%mul3A_251] : memref<2097152xf32, #tpu.memory_space<hbm>> -> memref<8192xf32, #tpu.memory_space<hbm>>
    %dma_wait3A_303 = tpu.memref_slice %arg3[%mul3A_251] : memref<2097152xf32, #tpu.memory_space<hbm>> -> memref<8192xf32, #tpu.memory_space<hbm>>
    %dma_wait3A_304 = arith.constant 57344 : i32
    %dma_wait3A_305 = tpu.memref_slice %arg4[%dma_wait3A_304] : memref<65536xf32, #tpu.memory_space<vmem>> -> memref<8192xf32, #tpu.memory_space<vmem>>
    tpu.wait_dma2 semaphore(%arg20 : memref<!tpu.dma_semaphore, #tpu.memory_space<semaphore_mem>>) src(%dma_wait3A_305 : memref<8192xf32, #tpu.memory_space<vmem>>) dst(%dma_wait3A_303 : memref<8192xf32, #tpu.memory_space<hbm>>)
    return
  }
}

</mosaic_0001>

<sc_bundles>
// kernel: kernel.3.cloned.1.call-start
scs
__scs_entry_jumppad:
0x0: {  	(pc) =	sbr.rel $0x88, $3  }
0x1: {  	(tag) =	ssettag $0x0;
	lr =	simm.s32 $0x1  }
0x2: {  	[smem:$0x3FA0] =	sst lr;
	_ =	strace $0xD0000000  }
0x3: {  	_ = 	snop  }
0x4: {  	_ = 	snop  }
0x5: {  	_ = 	snop  }
0x6: {  	_ = 	snop  }
0x7: {  	_ = 	snop  }
__scs_overlays_trampoline_lowered:
0x8: {  	[smem:$0x3FAF] =	sst s0  }
0x9: {  	[smem:$0x3FB0] =	sst s1  }
0xa: {  	[smem:$0x3FB1] =	sst s2  }
0xb: {  	[smem:$0x3FB2] =	sst s3  }
0xc: {  	[smem:$0x3FB3] =	sst s4  }
0xd: {  	[smem:$0x3FB4] =	sst s5  }
0xe: {  	[smem:$0x3FB5] =	sst s6  }
0xf: {  	[smem:$0x3FB6] =	sst s7  }
0x10: {  	[smem:$0x3FB7] =	sst s8  }
0x11: {  	[smem:$0x3FB8] =	sst s9;
	s0 =	simm.s32 @!p0 $0x0  }
0x12: {  	s1 =	sld [smem:$0x3F9E];
	s0 =	simm.s32 @p0 $0x1  }
0x13: {  	[smem:$0x3FB9] =	sst s0;
	s0 =	simm.s32 @!p1 $0x0  }
0x14: {  	s2 =	sld [smem:$0x3F9D];
	s0 =	simm.s32 @p1 $0x1  }
0x15: {  	[smem:$0x3FBA] =	sst s0;
	s0 =	simm.s32 @!p2 $0x0  }
0x16: {  	s3 =	sld [smem:$0x3FDB];
	s0 =	simm.s32 @p2 $0x1  }
0x17: {  	s4 =	simm.s32 $0x1BF5;
	[smem:$0x3FBC] =	sst s0  }
0x18: {  	s0 =	sld [smem:$0x3F9F];
	_ =	swait.ge [sflag:s4], $0x0  }
0x19: {  	s7 =	sld [smem:$0x3FA0]  }
0x1a: {  	s8 =	sadd.s32 $0xFFFFE003, lr  }
0x1b: {  	s9 =	sadd.s32 $0xFFFFFEF7, lr;
	s5 =	simm.s32 $0xFFFFFFFF;
	p2 =	slt.u32 s8, $0xFFFFF086  }
0x1c: {  	p1 =	slt.u32 s9, $0xF7A;
	s5 =	simm.s32 @!p2 $0x0  }
0x1d: {  	s5 =	simm.s32 @p1 $0x1;
	p0 =	seq.s32 s7, s2  }
0x1e: {  	s7 =	smul.u32 @!p0 $0xF7A, s2;
	p2 =	seq.s32 @!p0 s5, $0x0  }
0x1f: {  	s9 =	smul.u32 $0xF7A, s1;
	s8 =	simm.s32 @!p0 $0x1BF5;
	p2 =	por !p2, p0  }
0x20: {  	[sflag:s8] =	ssyncset.s32 @!p0 $0xFFFFF086;
	s6 =	sadd.s32 @!p0 s3, s7;
	s7 =	simm.s32 @!p0 $0x108  }
0x21: {  	s3 =	sadd.s32 s3, s9;
	s6 =	sadd.s32 @!p0 $0x88, s6;
	s7 =	simm.s32 @p2 $0x1082  }
0x22: {  	[simem:s7], [sflag:s8] =	dma.local @!p0 [hbm:s6], $0xF7A  }
0x23: {  	s9 =	sor.u32 $0xD0000000, s2;
	s6 =	simm.s32 $0x108;
	_ =	swait.ge @!p0 [sflag:s8], $0x0  }
0x24: {  	s3 =	sadd.s32 $0x88, s3;
	s6 =	simm.s32 @!p1 $0x1082;
	[sflag:s4] =	ssyncset.s32 $0xFFFFF086  }
0x25: {  	[simem:s6], [sflag:s4] =	dma.local [hbm:s3], $0xF7A  }
0x26: {  	[smem:$0x3FA0] =	sst s1;
	(tag) =	ssettag s2;
	_ =	strace s9  }
0x27: {  	s1 =	sld [smem:$0x3FB0]  }
0x28: {  	s2 =	sld [smem:$0x3FB1]  }
0x29: {  	s4 =	sld [smem:$0x3FB3]  }
0x2a: {  	p0 =	seq.s32 s5, $0x0;
	s5 =	sld [smem:$0x3FB4]  }
0x2b: {  	s6 =	sld [smem:$0x3FB5]  }
0x2c: {  	s7 =	sld [smem:$0x3FB6]  }
0x2d: {  	s3 =	simm.s32 $0x108;
	s8 =	sld [smem:$0x3FB7]  }
0x2e: {  	s3 =	simm.s32 @!p0 $0x1082;
	s9 =	sld [smem:$0x3FB8]  }
0x2f: {  	lr =	sadd.s32 s0, s3;
	s0 =	sld [smem:$0x3FAF]  }
0x30: {  	s3 =	sld [smem:$0x3FB2]  }
0x31: {  	[smem:$0x3FBB] =	sst s10  }
0x32: {  	s10 =	sld [smem:$0x3FB9];
	_ =	sdelay $0x3  }
0x33: {  	p0 =	seq.s32 s10, $0x1;
	s10 =	sld [smem:$0x3FBB];
	_ =	sdelay $0x3  }
0x34: {  	[smem:$0x3FBB] =	sst s10  }
0x35: {  	s10 =	sld [smem:$0x3FBA];
	_ =	sdelay $0x3  }
0x36: {  	p1 =	seq.s32 s10, $0x1;
	s10 =	sld [smem:$0x3FBB];
	_ =	sdelay $0x3  }
0x37: {  	[smem:$0x3FBB] =	sst s10  }
0x38: {  	s10 =	sld [smem:$0x3FBC]  }
0x39: {  	_ = 	snop;
	(pc) =	sbr.ind lr, $3  }
0x3a: {  	_ = 	snop  }
0x3b: {  	_ = 	snop  }
0x3c: {  	p2 =	seq.s32 s10, $0x1;
	s10 =	sld [smem:$0x3FBB]  }
0x3d: {  	_ =	shalt  }
0x3e: {  	_ =	shalt  }
0x3f: {  	_ =	shalt  }
0x40: {  	_ =	shalt  }
0x41: {  	_ =	shalt  }
0x42: {  	_ =	shalt  }
0x43: {  	_ =	shalt  }
0x44: {  	_ =	shalt  }
0x45: {  	_ =	shalt  }
0x46: {  	_ =	shalt  }
0x47: {  	_ =	shalt  }
0x48: {  	_ =	shalt  }
0x49: {  	_ =	shalt  }
0x4a: {  	_ =	shalt  }
0x4b: {  	_ =	shalt  }
0x4c: {  	_ =	shalt  }
0x4d: {  	_ =	shalt  }
0x4e: {  	_ =	shalt  }
0x4f: {  	_ =	shalt  }
0x50: {  	_ =	shalt  }
0x51: {  	_ =	shalt  }
0x52: {  	_ =	shalt  }
0x53: {  	_ =	shalt  }
0x54: {  	_ =	shalt  }
0x55: {  	_ =	shalt  }
0x56: {  	_ =	shalt  }
0x57: {  	_ =	shalt  }
0x58: {  	_ =	shalt  }
0x59: {  	_ =	shalt  }
0x5a: {  	_ =	shalt  }
0x5b: {  	_ =	shalt  }
0x5c: {  	_ =	shalt  }
0x5d: {  	_ =	shalt  }
0x5e: {  	_ =	shalt  }
0x5f: {  	_ =	shalt  }
0x60: {  	_ =	shalt  }
0x61: {  	_ =	shalt  }
0x62: {  	_ =	shalt  }
0x63: {  	_ =	shalt  }
0x64: {  	_ =	shalt  }
0x65: {  	_ =	shalt  }
0x66: {  	_ =	shalt  }
0x67: {  	_ =	shalt  }
0x68: {  	_ =	shalt  }
0x69: {  	_ =	shalt  }
0x6a: {  	_ =	shalt  }
0x6b: {  	_ =	shalt  }
0x6c: {  	_ =	shalt  }
0x6d: {  	_ =	shalt  }
0x6e: {  	_ =	shalt  }
0x6f: {  	_ =	shalt  }
0x70: {  	_ =	shalt  }
0x71: {  	_ =	shalt  }
0x72: {  	_ =	shalt  }
0x73: {  	_ =	shalt  }
0x74: {  	_ =	shalt  }
0x75: {  	_ =	shalt  }
0x76: {  	_ =	shalt  }
0x77: {  	_ =	shalt  }
0x78: {  	_ =	shalt  }
0x79: {  	_ =	shalt  }
0x7a: {  	_ =	shalt  }
0x7b: {  	_ =	shalt  }
0x7c: {  	_ =	shalt  }
0x7d: {  	_ =	shalt  }
0x7e: {  	_ =	shalt  }
0x7f: {  	_ =	shalt  }
0x80: {  	_ =	shalt  }
0x81: {  	_ =	shalt  }
0x82: {  	_ =	shalt  }
0x83: {  	_ =	shalt  }
0x84: {  	_ =	shalt  }
0x85: {  	_ =	shalt  }
0x86: {  	_ =	shalt  }
0x87: {  	_ =	shalt  }
.Lfunc_end0:
.L_simem_size_0:
called_computation_lowered:
.L_overlay_start_0:
0x88: {  	s2 =	sld [smem:$0x3FD9]  }
0x89: {  	s3 =	sld [smem:$0x3FFE];
	_ =	sdelay $0x1  }
0x8a: {  	s1 =	srdreg.scid  }
0x8b: {  	s0 =	sand.u32 $0x1, s1  }
0x8c: {  	s18 =	sshll.u32 s0, $0xA;
	s2 =	sadd.s32 s3, s2  }
0x8d: {  	s2 =	sadd.s32 s2, s18  }
0x8e: {  	[smem:$0x3FC7] =	sst s2  }
0x8f: {  	_ = 	snop  }
0x90: {  	s2 =	sld [smem:$0x3FC9]  }
0x91: {  	s19 =	sld [smem:$0x3FD0];
	(tm) =	ssettm $0x1  }
0x92: {  	s4 =	sld [smem:$0x3FFB];
	_ =	sdelay $0x3  }
0x93: {  	_ =	strace s4  }
0x94: {  	s4 =	sld [smem:$0x3FFC];
	_ =	sdelay $0x3  }
0x95: {  	_ =	strace s4  }
0x96: {  	s4 =	sld [smem:$0x3FFD];
	_ =	sdelay $0x3  }
0x97: {  	_ =	strace s4  }
0x98: {  	_ =	strace $0x8FFFFFFF  }
0x99: {  	s20 =	sld [smem:$0x3FDB];
	_ =	sdelay $0x1  }
0x9a: {  	s5 =	simm.s32 $_scs_section_size  }
0x9b: {  	s6 =	simm.s32 $_size__tile_overlayer_lowered;
	s7 =	simm.s32 $_tile_overlayer_lowered  }
0x9c: {  	s23 =	simm.s32 $0x1BFF;
	s22 =	sshll.u32 s7, $0x1;
	s4 =	sadd.s32 s5, s20  }
0x9d: {  	s8 =	simm.s32 $0x0;
	s21 =	sshll.u32 s6, $0x1;
	s6 =	sadd.s32 s22, s4  }
0x9e: {  	[timem:s8], [sflag:s23] =	dma.local [hbm:s6], s21  }
0x9f: {  	_ =	swait.ge [sflag:s23], s21  }
0xa0: {  	s5 =	ssub.s32 $0x0, s21;
	[sflag:s23] =	ssyncset.done $0x0  }
0xa1: {  	[sflag:s23] =	ssyncadd.s32 s5;
	_ =	sdelay $0x1  }
0xa2: {  	s24 =	simm.s32 $0x1B8B  }
0xa3: {  	_ =	swait.ge [sflag:s24], $0x1  }
0xa4: {  	[sflag:s24] =	ssyncset.done $0x0  }
0xa5: {  	s25 =	simm.s32 $0x1B8E;
	[sflag:s24] =	ssyncadd.s32 $0xFFFFFFFF  }
0xa6: {  	s26 =	simm.s32 $execute0_lowered;
	[smem:$0x3FD2] =	sst s25  }
0xa7: {  	s5 =	sshll.u32 s26, $0x1;
	_ =	strace $0x80000046;
	[dreg:$0x1] =	wrdreg $0xFFFFFFFF  }
0xa8: {  	s28 =	simm.s32 $_size_execute0_lowered;
	s4 =	sadd.s32 s4, s5;
	[dreg:$0x0] =	wrdreg $0x0  }
0xa9: {  	s5 =	sshll.u32 s28, $0x1;
	[dreg:$0x2] =	wrdreg s4  }
0xaa: {  	[dreg:$0x3] =	wrdreg s5  }
0xab: {  	[dreg:$0x4] =	wrdreg $0xC0  }
0xac: {  	_ =	task [dreg:s8], $0x5FFFF  }
0xad: {  	[dreg:$0x1] =	wrdreg $0xFFFFFFFF  }
0xae: {  	[dreg:$0x0] =	wrdreg $0x60  }
0xaf: {  	[dreg:$0x2] =	wrdreg s2  }
0xb0: {  	[dreg:$0x3] =	wrdreg s19  }
0xb1: {  	[dreg:$0x4] =	wrdreg $0x9  }
0xb2: {  	_ =	task.clear_ibuf [dreg:s8], $0x5FFFF;
	_ =	strace $0x90000046  }
0xb3: {  	s29 =	simm.s32 $0x9;
	_ =	strace $0x80000048  }
0xb4: {  	_ =	swait.ge [sflag:s29], $0x1  }
0xb5: {  	[sflag:s29] =	ssyncadd.s32 $0xFFFFFFFF  }
0xb6: {  	_ =	strace $0x90000048  }
0xb7: {  	_ =	sfence  }
0xb8: {  	s30 =	sld [smem:$0x0];
	_ =	sdelay $0x2  }
0xb9: {  	s31 =	sshll.u32 s1, $0xD;
	s1 =	sshrl.u32 s1, $0x2  }
0xba: {  	s3 =	sand.u32 $0x4000, s31;
	s1 =	sadd.s32 s1, s30  }
0xbb: {  	s0 =	sor.u32 s3, s0;
	s1 =	sshll.u32 s1, $0x11  }
0xbc: {  	s0 =	sor.u32 s1, s0  }
0xbd: {  	s0 =	sadd.s32 $0x8F2B, s0  }
0xbe: {  	[sflag:s0] =	ssyncadd.remote.s32 $0x1  }
0xbf: {  	_ =	sfence.sel $0xFFFF  }
0xc0: {  	[dreg:$0x0] =	wrdreg $0xFFFFFFFF;
	(pc) =	sbr.abs _section_cstart, $3  }
0xc1: {  	[dreg:$0x1] =	wrdreg $0xFFFFFFFF  }
0xc2: {  	_ =	task.clear_ibuf [dreg:s8], $0x2FFFF;
	_ =	strace $0x9FFFFFFF  }
0xc3: {  	(tm) =	ssettm $0x7FFFFFFF  }
tec
execute0_lowered:
.L_overlay_start_1:
0x0: {  	(tag) =	ssettag $0x1  }
0x1: {  	s0 =	rddreg [dreg:$0x0]  }
0x2: {  	s1 =	rddreg [dreg:$0x1]  }
0x3: {  	s2 =	srdreg.scid;
	s4 =	stileid.u32;
	s28 =	simm.s32 $0x1  }
0x4: {  	s29 =	simm.s32 $0x2;
	s30 =	simm.s32 $0x3;
	s31 =	simm.s32 $0x4  }
0x5: {  	s3 =	sand.u32 $0x1, s2;
	s2 =	simm.s32 $0x0;
	s4 =	sshll.u32 s4, $0xE  }
0x6: {  	s5 =	sshll.u32 s3, $0xD;
	[smem:$0x7FF] =	sst s2;
	s3 =	ssub.s32 $0x2, s3  }
0x7: {  	s4 =	sor.u32 s5, s4;
	_ =	strace $0x80000047;
	s18 =	sshrl.u32 s3, $0x1  }
0x8: {  	s5 =	simm.s32 $0xC;
	s6 =	sor.u32 $0x400, s4;
	s3 =	ssub.s32 s3, s18  }
0x9: {  	s19 =	sadd.s32 s0, s4;
	s21 =	sor.u32 $0x800, s4;
	s7 =	sor.u32 $0xC00, s4  }
0xa: {  	s8 =	sor.u32 $0x1000, s4;
	s24 =	sor.u32 $0x1400, s4;
	s10 =	sor.u32 $0x1800, s4  }
0xb: {  	s11 =	sor.u32 $0x1C00, s4;
	s26 =	sadd.s32 s1, s4;
	s4 =	simm.s32 $0x8  }
0xc: {  	[dreg:$0x3] =	wrdreg s19;
	s20 =	sadd.s32 s0, s6;
	s9 =	sadd.s32 s0, s21  }
0xd: {  	s22 =	sadd.s32 s0, s7;
	s23 =	sadd.s32 s0, s8;
	s12 =	sadd.s32 s0, s24  }
0xe: {  	s25 =	sadd.s32 s0, s10;
	s0 =	sadd.s32 s0, s11;
	[dreg:$0xb] =	wrdreg s26  }
0xf: {  	v0 =	vimm.s32 $0xFDDCBA98;
	v1 =	vimm.s32 $0x76543210;
	v2 =	vimm.s32 $0xEECCBA98;
	s13 =	sadd.s32 s1, s21;
	s14 =	sadd.s32 s1, s7;
	[dreg:$0x4] =	wrdreg s20  }
0x10: {  	v3 =	vimm.s32 $0xFFDCBA98;
	v0 =	vunpack.c.l.s4.s8 v0;
	v1 =	vunpack.c.l.s4.s8 v1;
	s15 =	sadd.s32 s1, s8;
	s16 =	sadd.s32 s1, s24;
	[dreg:$0x5] =	wrdreg s9  }
0x11: {  	v2 =	vunpack.c.l.s4.s8 v2;
	v3 =	vunpack.c.l.s4.s8 v3;
	s17 =	sadd.s32 s1, s10;
	s18 =	sadd.s32 s1, s11;
	[dreg:$0x6] =	wrdreg s22  }
0x12: {  	v0 =	vunpack.c.0.s8.s32 v0;
	v1 =	vunpack.c.0.s8.s32 v1;
	s19 =	smax.u32 s3, $0x1;
	s26 =	simm.s32 $0xE000;
	[dreg:$0x7] =	wrdreg s23  }
0x13: {  	v2 =	vunpack.c.0.s8.s32 v2;
	v3 =	vunpack.c.0.s8.s32 v3;
	s3 =	simm.s32 $0x7;
	s21 =	simm.s32 $0xA;
	[dreg:$0x8] =	wrdreg s12  }
0x14: {  	vm0 =	vcmask $0x3F3C;
	v0 =	vcombine.low v1, v0;
	s7 =	simm.s32 $0xE;
	s24 =	simm.s32 $0x10;
	[dreg:$0x9] =	wrdreg s25  }
0x15: {  	vm1 =	vcmask $0x3734;
	v2 =	vcombine.low v1, v2;
	v3 =	vcombine.low v1, v3;
	[dreg:$0xa] =	wrdreg s0;
	s12 =	sadd.s32 s1, s6;
	s0 =	simm.s32 $0x5  }
0x16: {  	vm0 =	vmor vm1, vm0;
	vm1 =	vmmov $0x1fff;
	s1 =	simm.s32 $0x6;
	s20 =	simm.s32 $0x9;
	s22 =	simm.s32 $0xB  }
0x17: {  	s6 =	simm.s32 $0xD;
	s23 =	simm.s32 $0xF;
	s25 =	simm.s32 $0x0;
	v0 =	vand.u32 $0xF, v0;
	v1 =	vand.u32 $0xF, v2;
	v2 =	vand.u32 $0xF, v3  }
.LBB2_1:
0x18: {  	s8 =	rddreg [dreg:$0x3]  }
0x19: {  	[tilespmem:s2], [sflag:$0x1] =	stream.linear.gather [hbm4b:s8+s2], $0x2000, $0x38;
	[tilespmem:$0x10000] =	vst v63  }
0x1a: {  	s11 =	rddreg [dreg:$0x4];
	s9 =	simm.s32 $0x2000  }
0x1b: {  	[tilespmem:s9], [sflag:$0x2] =	stream.linear.gather [hbm4b:s11+s2], $0x2000, $0x38;
	[tilespmem:$0x10000] =	vst v63  }
0x1c: {  	s10 =	rddreg [dreg:$0x5];
	s11 =	simm.s32 $0x4000  }
0x1d: {  	[tilespmem:s11], [sflag:$0x3] =	stream.linear.gather [hbm4b:s10+s2], $0x2000, $0x38;
	[tilespmem:$0x10000] =	vst v63  }
0x1e: {  	s10 =	rddreg [dreg:$0x6];
	s11 =	simm.s32 $0x6000  }
0x1f: {  	[tilespmem:s11], [sflag:$0x4] =	stream.linear.gather [hbm4b:s10+s2], $0x2000, $0x38;
	[tilespmem:$0x10000] =	vst v63  }
0x20: {  	s10 =	rddreg [dreg:$0x7];
	s11 =	simm.s32 $0x8000  }
0x21: {  	[tilespmem:s11], [sflag:$0x5] =	stream.linear.gather [hbm4b:s10+s2], $0x2000, $0x38;
	[tilespmem:$0x10000] =	vst v63  }
0x22: {  	s10 =	rddreg [dreg:$0x8];
	s11 =	simm.s32 $0xA000  }
0x23: {  	[tilespmem:s11], [sflag:$0x6] =	stream.linear.gather [hbm4b:s10+s2], $0x2000, $0x38;
	[tilespmem:$0x10000] =	vst v63  }
0x24: {  	s9 =	rddreg [dreg:$0x9];
	s10 =	simm.s32 $0xC000  }
0x25: {  	[tilespmem:s10], [sflag:$0x7] =	stream.linear.gather [hbm4b:s9+s2], $0x2000, $0x38;
	[tilespmem:$0x10000] =	vst v63  }
0x26: {  	s11 =	rddreg [dreg:$0xa]  }
0x27: {  	[tilespmem:s26], [sflag:$0x8] =	stream.linear.gather [hbm4b:s11+s2], $0x2000, $0x38;
	[tilespmem:$0x10000] =	vst v63  }
0x28: {  	_ =	swait.ge [sflag:s28], $0x2000  }
0x29: {  	[sflag:s28] =	ssyncset.done $0x0  }
0x2a: {  	s8 =	simm.s32 $0x170;
	[sflag:s28] =	ssyncadd.s32 $0xFFFFE000  }
0x2b: {  	v4 =	vld [tilespmem:s8+$0xFFFFFF00]  }
0x2c: {  	v5 =	vld [tilespmem:s8+$0x0]  }
0x2d: {  	v6 =	vld [tilespmem:s8+$0xFFFFFF80];
	_ =	sdelay $0x1  }
0x2e: {  	v7 =	vld [tilespmem:s8+$0x80];
	_ =	sdelay $0x1  }
0x2f: {  	v8 =	vperm.xlane v4, v0;
	v3 =	vperm.xlane v4, v1  }
0x30: {  	v9 =	vperm.xlane v5, v1;
	v10 =	vperm.xlane v6, v0  }
0x31: {  	v11 =	vperm.xlane v5, v0;
	v12 =	vperm.xlane v5, v2  }
0x32: {  	v13 =	vperm.xlane v7, v0;
	v14 =	vperm.xlane v6, v1  }
0x33: {  	v15 =	vperm.xlane v4, v2;
	v16 =	vperm.xlane v7, v1  }
0x34: {  	v17 =	vperm.xlane v7, v2;
	v18 =	vperm.xlane v6, v2;
	v9 =	vadd.f32 v9, v11  }
0x35: {  	s9 =	simm.s32 $0x370;
	v3 =	vadd.f32 v3, v8;
	v12 =	vsel vm0, $0x0, v12;
	v15 =	vsel vm0, $0x0, v15  }
0x36: {  	v9 =	vadd.f32 v12, v9;
	v12 =	vadd.f32 v16, v13;
	v16 =	vsel vm0, $0x0, v17;
	v17 =	vld [tilespmem:s9+$0xFFFFFF00]  }
0x37: {  	v14 =	vadd.f32 v14, v10;
	v15 =	vadd.f32 v15, v3;
	v3 =	vsel vm0, $0x0, v18;
	v18 =	vld [tilespmem:s9+$0x0]  }
0x38: {  	v20 =	vsel vm1, v5, v11;
	v9 =	vsel vm1, $0x3F800000, v9;
	v12 =	vadd.f32 v16, v12  }
0x39: {  	v14 =	vadd.f32 v3, v14;
	v3 =	vld [tilespmem:s9+$0xFFFFFF80];
	v15 =	vsel vm1, $0x3F800000, v15;
	(erf) = vrcp.f32 v9  }
0x3a: {  	v16 =	vsel vm1, v4, v8;
	v8 =	vsel vm1, $0x3F800000, v12;
	(erf) = vrcp.f32 v15  }
0x3b: {  	v5 =	vsel vm1, v6, v10;
	v4 =	vld [tilespmem:s9+$0x80];
	(erf) = vrcp.f32 v8;
	v10 =	vperm.xlane v17, v0  }
0x3c: {  	v9 =	vsel vm1, $0x3F800000, v14;
	v6 =	vperm.xlane v17, v1;
	v14 =	vperm.xlane v18, v1  }
0x3d: {  	v15 =	vperm.xlane v18, v0;
	(erf) = vrcp.f32 v9  }
0x3e: {  	v8 =	vsel vm1, v7, v13;
	v12 =	vperm.xlane v18, v2;
	v19 =	vperm.xlane v3, v1  }
0x3f: {  	v13 =	vperm.xlane v3, v2;
	v11 =	vadd.f32 v6, v10;
	v6 =	vperm.xlane v3, v0  }
0x40: {  	v10 =	vsel vm1, v17, v10;
	v7 =	vperm.xlane v4, v0;
	v9 =	vsel vm1, v18, v15  }
0x41: {  	v18 =	vperm.xlane v4, v2;
	v17 =	vperm.xlane v17, v2;
	v21 =	vsel vm0, $0x0, v12  }
0x42: {  	v22 =	vadd.f32 v14, v15;
	v23 =	vperm.xlane v4, v1;
	v12 =	vadd.f32 v19, v6;
	v14 =	vpop (erf)  }
0x43: {  	v19 =	vsel vm0, $0x0, v17;
	v15 =	vsel vm0, $0x0, v18;
	v14 =	vmul.f32 v14, v20;
	v20 =	vpop (erf)  }
0x44: {  	s10 =	simm.s32 $0x4;
	s11 =	simm.s32 $0x570;
	v17 =	vadd.f32 v21, v22;
	v18 =	vadd.f32 v23, v7;
	v16 =	vmul.f32 v20, v16;
	v20 =	vpop (erf)  }
.LBB2_2:
0x45: {  	v21 =	vld [tilespmem:s11+$0xFFFFFF00];
	s10 =	sadd.s32 $0x4, s10;
	v11 =	vadd.f32 v19, v11;
	v13 =	vsel vm0, $0x0, v13;
	[tilespmem:s8+$0x0] =	vst v14;
	v8 =	vmul.f32 v20, v8;
	v20 =	vmovc v10  }
0x46: {  	v14 =	vld [tilespmem:s11+$0x0];
	p0 =	slt.u32 s10, $0x3C;
	v10 =	vadd.f32 v13, v12;
	v12 =	vsel vm1, $0x3F800000, v17;
	v13 =	vadd.f32 v15, v18;
	[tilespmem:s8+$0xFFFFFF00] =	vst v16;
	v15 =	vpop (erf)  }
0x47: {  	v17 =	vmovc v9;
	v16 =	vld [tilespmem:s11+$0xFFFFFF80];
	v11 =	vsel vm1, $0x3F800000, v11;
	(erf) = vrcp.f32 v12;
	v12 =	vmul.f32 v15, v5;
	[tilespmem:s8+$0x80] =	vst v8  }
0x48: {  	v9 =	vld [tilespmem:s11+$0x80];
	v10 =	vsel vm1, $0x3F800000, v10;
	v13 =	vsel vm1, $0x3F800000, v13;
	(erf) = vrcp.f32 v11  }
0x49: {  	v5 =	vsel vm1, v3, v6;
	v8 =	vsel vm1, v4, v7;
	(erf) = vrcp.f32 v13;
	[tilespmem:s8+$0xFFFFFF80] =	vst v12;
	s8 =	smov.u32 s9;
	s9 =	smov.u32 s11  }
0x4a: {  	v13 =	vperm.xlane v21, v0;
	v7 =	vperm.xlane v21, v1  }
0x4b: {  	v15 =	vperm.xlane v14, v1;
	(erf) = vrcp.f32 v10  }
0x4c: {  	v18 =	vperm.xlane v14, v0;
	v11 =	vadd.f32 v7, v13;
	v6 =	vperm.xlane v16, v0;
	v3 =	vmovc v16  }
0x4d: {  	v12 =	vperm.xlane v14, v2;
	v10 =	vsel vm1, v21, v13;
	v7 =	vperm.xlane v9, v0;
	v4 =	vmovc v9  }
.Ltmp0:
0x4e: {  	v16 =	vperm.xlane v3, v1;
	v9 =	vsel vm1, v14, v18;
	v14 =	vperm.xlane v4, v2;
	(pc) =	sbr.rel @p0 .LBB2_2-.Ltmp0, $4  }
0x4f: {  	v19 =	vperm.xlane v21, v2;
	v13 =	vperm.xlane v3, v2;
	v21 =	vsel vm0, $0x0, v12  }
0x50: {  	v12 =	vadd.f32 v16, v6;
	v16 =	vadd.f32 v15, v18;
	v18 =	vperm.xlane v4, v1;
	v22 =	vpop (erf)  }
0x51: {  	v19 =	vsel vm0, $0x0, v19;
	v15 =	vsel vm0, $0x0, v14;
	v14 =	vmul.f32 v22, v17;
	v22 =	vpop (erf)  }
0x52: {  	s11 =	sadd.s32 $0x200, s11;
	v17 =	vadd.f32 v21, v16;
	v18 =	vadd.f32 v18, v7;
	v16 =	vmul.f32 v22, v20;
	v20 =	vpop (erf)  }
0x53: {  	v11 =	vadd.f32 v19, v11  }
0x54: {  	v13 =	vsel vm0, $0x0, v13;
	v17 =	vsel vm1, $0x3F800000, v17;
	v15 =	vadd.f32 v15, v18  }
0x55: {  	v12 =	vadd.f32 v13, v12;
	v11 =	vsel vm1, $0x3F800000, v11;
	(erf) = vrcp.f32 v17  }
0x56: {  	v13 =	vsel vm1, $0x3F800000, v15;
	(erf) = vrcp.f32 v11  }
0x57: {  	v11 =	vsel vm1, $0x3F800000, v12;
	(erf) = vrcp.f32 v13  }
0x58: {  	(erf) = vrcp.f32 v11;
	_ =	sdelay $0x4  }
0x59: {  	[tilespmem:s8+$0x0] =	vst v14;
	v8 =	vmul.f32 v20, v8;
	v11 =	vpop (erf)  }
0x5a: {  	[tilespmem:s8+$0xFFFFFF00] =	vst v16;
	v5 =	vmul.f32 v11, v5;
	v11 =	vpop (erf)  }
0x5b: {  	[tilespmem:s8+$0x80] =	vst v8;
	v8 =	vmul.f32 v11, v9;
	v9 =	vpop (erf)  }
0x5c: {  	v4 =	vsel vm1, v4, v7;
	[tilespmem:s8+$0xFFFFFF80] =	vst v5;
	v5 =	vmul.f32 v9, v10;
	v7 =	vpop (erf)  }
0x5d: {  	v3 =	vsel vm1, v3, v6;
	[tilespmem:s9+$0x0] =	vst v8;
	v4 =	vmul.f32 v7, v4;
	v6 =	vpop (erf)  }
0x5e: {  	[tilespmem:s9+$0xFFFFFF00] =	vst v5;
	v3 =	vmul.f32 v6, v3  }
0x5f: {  	[tilespmem:s9+$0x80] =	vst v4  }
0x60: {  	[tilespmem:s9+$0xFFFFFF80] =	vst v3  }
0x61: {  	s8 =	rddreg [dreg:$0xb]  }
0x62: {  	[hbm4b:s8+s2] =	stream.linear.scatter [tilespmem:s2], [sflag:$0x9], $0x2000, $0x38;
	[tilespmem:$0x10000] =	vst v63  }
0x63: {  	_ =	swait.ge [sflag:s29], $0x2000  }
0x64: {  	[sflag:s29] =	ssyncset.done $0x0  }
0x65: {  	s8 =	simm.s32 $0x21F0;
	[sflag:s29] =	ssyncadd.s32 $0xFFFFE000  }
0x66: {  	v4 =	vld [tilespmem:s8+$0xFFFFFE80]  }
0x67: {  	v5 =	vld [tilespmem:s8+$0xFFFFFF80]  }
0x68: {  	v6 =	vld [tilespmem:s8+$0xFFFFFF00];
	_ =	sdelay $0x1  }
0x69: {  	v7 =	vld [tilespmem:s8+$0x0];
	_ =	sdelay $0x1  }
0x6a: {  	v8 =	vperm.xlane v4, v0;
	v3 =	vperm.xlane v4, v1  }
0x6b: {  	v9 =	vperm.xlane v5, v1;
	v10 =	vperm.xlane v6, v0  }
0x6c: {  	v11 =	vperm.xlane v5, v0;
	v12 =	vperm.xlane v5, v2  }
0x6d: {  	v13 =	vperm.xlane v7, v0;
	v14 =	vperm.xlane v6, v1  }
0x6e: {  	v15 =	vperm.xlane v4, v2;
	v16 =	vperm.xlane v7, v1  }
0x6f: {  	v17 =	vperm.xlane v7, v2;
	v18 =	vperm.xlane v6, v2;
	v9 =	vadd.f32 v9, v11  }
0x70: {  	s9 =	simm.s32 $0x23F0;
	v3 =	vadd.f32 v3, v8;
	v12 =	vsel vm0, $0x0, v12;
	v15 =	vsel vm0, $0x0, v15  }
0x71: {  	v9 =	vadd.f32 v12, v9;
	v12 =	vadd.f32 v16, v13;
	v16 =	vsel vm0, $0x0, v17;
	v17 =	vld [tilespmem:s9+$0xFFFFFE80]  }
0x72: {  	v14 =	vadd.f32 v14, v10;
	v15 =	vadd.f32 v15, v3;
	v3 =	vsel vm0, $0x0, v18;
	v18 =	vld [tilespmem:s9+$0xFFFFFF80]  }
0x73: {  	v20 =	vsel vm1, v5, v11;
	v9 =	vsel vm1, $0x3F800000, v9;
	v12 =	vadd.f32 v16, v12  }
0x74: {  	v14 =	vadd.f32 v3, v14;
	v3 =	vld [tilespmem:s9+$0xFFFFFF00];
	v15 =	vsel vm1, $0x3F800000, v15;
	(erf) = vrcp.f32 v9  }
0x75: {  	v16 =	vsel vm1, v4, v8;
	v8 =	vsel vm1, $0x3F800000, v12;
	(erf) = vrcp.f32 v15  }
0x76: {  	v5 =	vsel vm1, v6, v10;
	v4 =	vld [tilespmem:s9+$0x0];
	(erf) = vrcp.f32 v8;
	v10 =	vperm.xlane v17, v0  }
0x77: {  	v9 =	vsel vm1, $0x3F800000, v14;
	v6 =	vperm.xlane v17, v1;
	v14 =	vperm.xlane v18, v1  }
0x78: {  	v15 =	vperm.xlane v18, v0;
	(erf) = vrcp.f32 v9  }
0x79: {  	v8 =	vsel vm1, v7, v13;
	v12 =	vperm.xlane v18, v2;
	v19 =	vperm.xlane v3, v1  }
0x7a: {  	v13 =	vperm.xlane v3, v2;
	v11 =	vadd.f32 v6, v10;
	v6 =	vperm.xlane v3, v0  }
0x7b: {  	v10 =	vsel vm1, v17, v10;
	v7 =	vperm.xlane v4, v0;
	v9 =	vsel vm1, v18, v15  }
0x7c: {  	v18 =	vperm.xlane v4, v2;
	v17 =	vperm.xlane v17, v2;
	v21 =	vsel vm0, $0x0, v12  }
0x7d: {  	v22 =	vadd.f32 v14, v15;
	v23 =	vperm.xlane v4, v1;
	v12 =	vadd.f32 v19, v6;
	v14 =	vpop (erf)  }
0x7e: {  	v19 =	vsel vm0, $0x0, v17;
	v15 =	vsel vm0, $0x0, v18;
	v14 =	vmul.f32 v14, v20;
	v20 =	vpop (erf)  }
0x7f: {  	s10 =	simm.s32 $0x4;
	s11 =	simm.s32 $0x25F0;
	v17 =	vadd.f32 v21, v22;
	v18 =	vadd.f32 v23, v7;
	v16 =	vmul.f32 v20, v16;
	v20 =	vpop (erf)  }
.LBB2_4:
0x80: {  	v21 =	vld [tilespmem:s11+$0xFFFFFE80];
	s10 =	sadd.s32 $0x4, s10;
	v11 =	vadd.f32 v19, v11;
	v13 =	vsel vm0, $0x0, v13;
	[tilespmem:s8+$0xFFFFFF80] =	vst v14;
	v8 =	vmul.f32 v20, v8;
	v20 =	vmovc v10  }
0x81: {  	v14 =	vld [tilespmem:s11+$0xFFFFFF80];
	p0 =	slt.u32 s10, $0x3C;
	v10 =	vadd.f32 v13, v12;
	v12 =	vsel vm1, $0x3F800000, v17;
	v13 =	vadd.f32 v15, v18;
	[tilespmem:s8+$0xFFFFFE80] =	vst v16;
	v15 =	vpop (erf)  }
0x82: {  	v17 =	vmovc v9;
	v16 =	vld [tilespmem:s11+$0xFFFFFF00];
	v11 =	vsel vm1, $0x3F800000, v11;
	(erf) = vrcp.f32 v12;
	v12 =	vmul.f32 v15, v5;
	[tilespmem:s8+$0x0] =	vst v8  }
0x83: {  	v9 =	vld [tilespmem:s11+$0x0];
	v10 =	vsel vm1, $0x3F800000, v10;
	v13 =	vsel vm1, $0x3F800000, v13;
	(erf) = vrcp.f32 v11  }
0x84: {  	v5 =	vsel vm1, v3, v6;
	v8 =	vsel vm1, v4, v7;
	(erf) = vrcp.f32 v13;
	[tilespmem:s8+$0xFFFFFF00] =	vst v12;
	s8 =	smov.u32 s9;
	s9 =	smov.u32 s11  }
0x85: {  	v13 =	vperm.xlane v21, v0;
	v7 =	vperm.xlane v21, v1  }
0x86: {  	v15 =	vperm.xlane v14, v1;
	(erf) = vrcp.f32 v10  }
0x87: {  	v18 =	vperm.xlane v14, v0;
	v11 =	vadd.f32 v7, v13;
	v6 =	vperm.xlane v16, v0;
	v3 =	vmovc v16  }
0x88: {  	v12 =	vperm.xlane v14, v2;
	v10 =	vsel vm1, v21, v13;
	v7 =	vperm.xlane v9, v0;
	v4 =	vmovc v9  }
.Ltmp1:
0x89: {  	v16 =	vperm.xlane v3, v1;
	v9 =	vsel vm1, v14, v18;
	v14 =	vperm.xlane v4, v2;
	(pc) =	sbr.rel @p0 .LBB2_4-.Ltmp1, $4  }
0x8a: {  	v19 =	vperm.xlane v21, v2;
	v13 =	vperm.xlane v3, v2;
	v21 =	vsel vm0, $0x0, v12  }
0x8b: {  	v12 =	vadd.f32 v16, v6;
	v16 =	vadd.f32 v15, v18;
	v18 =	vperm.xlane v4, v1;
	v22 =	vpop (erf)  }
0x8c: {  	v19 =	vsel vm0, $0x0, v19;
	v15 =	vsel vm0, $0x0, v14;
	v14 =	vmul.f32 v22, v17;
	v22 =	vpop (erf)  }
0x8d: {  	s11 =	sadd.s32 $0x200, s11;
	v17 =	vadd.f32 v21, v16;
	v18 =	vadd.f32 v18, v7;
	v16 =	vmul.f32 v22, v20;
	v20 =	vpop (erf)  }
0x8e: {  	v11 =	vadd.f32 v19, v11  }
0x8f: {  	v13 =	vsel vm0, $0x0, v13;
	v17 =	vsel vm1, $0x3F800000, v17;
	v15 =	vadd.f32 v15, v18  }
0x90: {  	v12 =	vadd.f32 v13, v12;
	v11 =	vsel vm1, $0x3F800000, v11;
	(erf) = vrcp.f32 v17  }
0x91: {  	v13 =	vsel vm1, $0x3F800000, v15;
	(erf) = vrcp.f32 v11  }
0x92: {  	v11 =	vsel vm1, $0x3F800000, v12;
	(erf) = vrcp.f32 v13  }
0x93: {  	(erf) = vrcp.f32 v11;
	_ =	sdelay $0x4  }
0x94: {  	[tilespmem:s8+$0xFFFFFF80] =	vst v14;
	v8 =	vmul.f32 v20, v8;
	v11 =	vpop (erf)  }
0x95: {  	[tilespmem:s8+$0xFFFFFE80] =	vst v16;
	v5 =	vmul.f32 v11, v5;
	v11 =	vpop (erf)  }
0x96: {  	[tilespmem:s8+$0x0] =	vst v8;
	v8 =	vmul.f32 v11, v9;
	v9 =	vpop (erf)  }
0x97: {  	v4 =	vsel vm1, v4, v7;
	[tilespmem:s8+$0xFFFFFF00] =	vst v5;
	v5 =	vmul.f32 v9, v10;
	v7 =	vpop (erf)  }
0x98: {  	v3 =	vsel vm1, v3, v6;
	[tilespmem:s9+$0xFFFFFF80] =	vst v8;
	v4 =	vmul.f32 v7, v4;
	v6 =	vpop (erf)  }
0x99: {  	[tilespmem:s9+$0xFFFFFE80] =	vst v5;
	v3 =	vmul.f32 v6, v3  }
0x9a: {  	[tilespmem:s9+$0x0] =	vst v4  }
0x9b: {  	s11 =	simm.s32 $0x2000;
	[tilespmem:s9+$0xFFFFFF00] =	vst v3  }
0x9c: {  	[hbm4b:s12+s2] =	stream.linear.scatter [tilespmem:s11], [sflag:$0xA], $0x2000, $0x38;
	[tilespmem:$0x10000] =	vst v63  }
0x9d: {  	_ =	swait.ge [sflag:s30], $0x2000  }
0x9e: {  	[sflag:s30] =	ssyncset.done $0x0  }
0x9f: {  	s8 =	simm.s32 $0x41F0;
	[sflag:s30] =	ssyncadd.s32 $0xFFFFE000  }
0xa0: {  	v4 =	vld [tilespmem:s8+$0xFFFFFE80]  }
0xa1: {  	v5 =	vld [tilespmem:s8+$0xFFFFFF80]  }
0xa2: {  	v6 =	vld [tilespmem:s8+$0xFFFFFF00];
	_ =	sdelay $0x1  }
0xa3: {  	v7 =	vld [tilespmem:s8+$0x0];
	_ =	sdelay $0x1  }
0xa4: {  	v8 =	vperm.xlane v4, v0;
	v3 =	vperm.xlane v4, v1  }
0xa5: {  	v9 =	vperm.xlane v5, v1;
	v10 =	vperm.xlane v6, v0  }
0xa6: {  	v11 =	vperm.xlane v5, v0;
	v12 =	vperm.xlane v5, v2  }
0xa7: {  	v13 =	vperm.xlane v7, v0;
	v14 =	vperm.xlane v6, v1  }
0xa8: {  	v15 =	vperm.xlane v4, v2;
	v16 =	vperm.xlane v7, v1  }
0xa9: {  	v17 =	vperm.xlane v7, v2;
	v18 =	vperm.xlane v6, v2;
	v9 =	vadd.f32 v9, v11  }
0xaa: {  	s9 =	simm.s32 $0x43F0;
	v3 =	vadd.f32 v3, v8;
	v12 =	vsel vm0, $0x0, v12;
	v15 =	vsel vm0, $0x0, v15  }
0xab: {  	v9 =	vadd.f32 v12, v9;
	v12 =	vadd.f32 v16, v13;
	v16 =	vsel vm0, $0x0, v17;
	v17 =	vld [tilespmem:s9+$0xFFFFFE80]  }
0xac: {  	v14 =	vadd.f32 v14, v10;
	v15 =	vadd.f32 v15, v3;
	v3 =	vsel vm0, $0x0, v18;
	v18 =	vld [tilespmem:s9+$0xFFFFFF80]  }
0xad: {  	v20 =	vsel vm1, v5, v11;
	v9 =	vsel vm1, $0x3F800000, v9;
	v12 =	vadd.f32 v16, v12  }
0xae: {  	v14 =	vadd.f32 v3, v14;
	v3 =	vld [tilespmem:s9+$0xFFFFFF00];
	v15 =	vsel vm1, $0x3F800000, v15;
	(erf) = vrcp.f32 v9  }
0xaf: {  	v16 =	vsel vm1, v4, v8;
	v8 =	vsel vm1, $0x3F800000, v12;
	(erf) = vrcp.f32 v15  }
0xb0: {  	v5 =	vsel vm1, v6, v10;
	v4 =	vld [tilespmem:s9+$0x0];
	(erf) = vrcp.f32 v8;
	v10 =	vperm.xlane v17, v0  }
0xb1: {  	v9 =	vsel vm1, $0x3F800000, v14;
	v6 =	vperm.xlane v17, v1;
	v14 =	vperm.xlane v18, v1  }
0xb2: {  	v15 =	vperm.xlane v18, v0;
	(erf) = vrcp.f32 v9  }
0xb3: {  	v8 =	vsel vm1, v7, v13;
	v12 =	vperm.xlane v18, v2;
	v19 =	vperm.xlane v3, v1  }
0xb4: {  	v13 =	vperm.xlane v3, v2;
	v11 =	vadd.f32 v6, v10;
	v6 =	vperm.xlane v3, v0  }
0xb5: {  	v10 =	vsel vm1, v17, v10;
	v7 =	vperm.xlane v4, v0;
	v9 =	vsel vm1, v18, v15  }
0xb6: {  	v18 =	vperm.xlane v4, v2;
	v17 =	vperm.xlane v17, v2;
	v21 =	vsel vm0, $0x0, v12  }
0xb7: {  	v22 =	vadd.f32 v14, v15;
	v23 =	vperm.xlane v4, v1;
	v12 =	vadd.f32 v19, v6;
	v14 =	vpop (erf)  }
0xb8: {  	v19 =	vsel vm0, $0x0, v17;
	v15 =	vsel vm0, $0x0, v18;
	v14 =	vmul.f32 v14, v20;
	v20 =	vpop (erf)  }
0xb9: {  	s10 =	simm.s32 $0x4;
	s11 =	simm.s32 $0x45F0;
	v17 =	vadd.f32 v21, v22;
	v18 =	vadd.f32 v23, v7;
	v16 =	vmul.f32 v20, v16;
	v20 =	vpop (erf)  }
.LBB2_6:
0xba: {  	v21 =	vld [tilespmem:s11+$0xFFFFFE80];
	s10 =	sadd.s32 $0x4, s10;
	v11 =	vadd.f32 v19, v11;
	v13 =	vsel vm0, $0x0, v13;
	[tilespmem:s8+$0xFFFFFF80] =	vst v14;
	v8 =	vmul.f32 v20, v8;
	v20 =	vmovc v10  }
0xbb: {  	v14 =	vld [tilespmem:s11+$0xFFFFFF80];
	p0 =	slt.u32 s10, $0x3C;
	v10 =	vadd.f32 v13, v12;
	v12 =	vsel vm1, $0x3F800000, v17;
	v13 =	vadd.f32 v15, v18;
	[tilespmem:s8+$0xFFFFFE80] =	vst v16;
	v15 =	vpop (erf)  }
0xbc: {  	v17 =	vmovc v9;
	v16 =	vld [tilespmem:s11+$0xFFFFFF00];
	v11 =	vsel vm1, $0x3F800000, v11;
	(erf) = vrcp.f32 v12;
	v12 =	vmul.f32 v15, v5;
	[tilespmem:s8+$0x0] =	vst v8  }
0xbd: {  	v9 =	vld [tilespmem:s11+$0x0];
	v10 =	vsel vm1, $0x3F800000, v10;
	v13 =	vsel vm1, $0x3F800000, v13;
	(erf) = vrcp.f32 v11  }
0xbe: {  	v5 =	vsel vm1, v3, v6;
	v8 =	vsel vm1, v4, v7;
	(erf) = vrcp.f32 v13;
	[tilespmem:s8+$0xFFFFFF00] =	vst v12;
	s8 =	smov.u32 s9;
	s9 =	smov.u32 s11  }
0xbf: {  	v13 =	vperm.xlane v21, v0;
	v7 =	vperm.xlane v21, v1  }
0xc0: {  	v15 =	vperm.xlane v14, v1;
	(erf) = vrcp.f32 v10  }
0xc1: {  	v18 =	vperm.xlane v14, v0;
	v11 =	vadd.f32 v7, v13;
	v6 =	vperm.xlane v16, v0;
	v3 =	vmovc v16  }
0xc2: {  	v12 =	vperm.xlane v14, v2;
	v10 =	vsel vm1, v21, v13;
	v7 =	vperm.xlane v9, v0;
	v4 =	vmovc v9  }
.Ltmp2:
0xc3: {  	v16 =	vperm.xlane v3, v1;
	v9 =	vsel vm1, v14, v18;
	v14 =	vperm.xlane v4, v2;
	(pc) =	sbr.rel @p0 .LBB2_6-.Ltmp2, $4  }
0xc4: {  	v19 =	vperm.xlane v21, v2;
	v13 =	vperm.xlane v3, v2;
	v21 =	vsel vm0, $0x0, v12  }
0xc5: {  	v12 =	vadd.f32 v16, v6;
	v16 =	vadd.f32 v15, v18;
	v18 =	vperm.xlane v4, v1;
	v22 =	vpop (erf)  }
0xc6: {  	v19 =	vsel vm0, $0x0, v19;
	v15 =	vsel vm0, $0x0, v14;
	v14 =	vmul.f32 v22, v17;
	v22 =	vpop (erf)  }
0xc7: {  	s11 =	sadd.s32 $0x200, s11;
	v17 =	vadd.f32 v21, v16;
	v18 =	vadd.f32 v18, v7;
	v16 =	vmul.f32 v22, v20;
	v20 =	vpop (erf)  }
0xc8: {  	v11 =	vadd.f32 v19, v11  }
0xc9: {  	v13 =	vsel vm0, $0x0, v13;
	v17 =	vsel vm1, $0x3F800000, v17;
	v15 =	vadd.f32 v15, v18  }
0xca: {  	v12 =	vadd.f32 v13, v12;
	v11 =	vsel vm1, $0x3F800000, v11;
	(erf) = vrcp.f32 v17  }
0xcb: {  	v13 =	vsel vm1, $0x3F800000, v15;
	(erf) = vrcp.f32 v11  }
0xcc: {  	v11 =	vsel vm1, $0x3F800000, v12;
	(erf) = vrcp.f32 v13  }
0xcd: {  	(erf) = vrcp.f32 v11;
	_ =	sdelay $0x4  }
0xce: {  	[tilespmem:s8+$0xFFFFFF80] =	vst v14;
	v8 =	vmul.f32 v20, v8;
	v11 =	vpop (erf)  }
0xcf: {  	[tilespmem:s8+$0xFFFFFE80] =	vst v16;
	v5 =	vmul.f32 v11, v5;
	v11 =	vpop (erf)  }
0xd0: {  	[tilespmem:s8+$0x0] =	vst v8;
	v8 =	vmul.f32 v11, v9;
	v9 =	vpop (erf)  }
0xd1: {  	v4 =	vsel vm1, v4, v7;
	[tilespmem:s8+$0xFFFFFF00] =	vst v5;
	v5 =	vmul.f32 v9, v10;
	v7 =	vpop (erf)  }
0xd2: {  	v3 =	vsel vm1, v3, v6;
	[tilespmem:s9+$0xFFFFFF80] =	vst v8;
	v4 =	vmul.f32 v7, v4;
	v6 =	vpop (erf)  }
0xd3: {  	[tilespmem:s9+$0xFFFFFE80] =	vst v5;
	v3 =	vmul.f32 v6, v3  }
0xd4: {  	[tilespmem:s9+$0x0] =	vst v4  }
0xd5: {  	s11 =	simm.s32 $0x4000;
	[tilespmem:s9+$0xFFFFFF00] =	vst v3  }
0xd6: {  	[hbm4b:s13+s2] =	stream.linear.scatter [tilespmem:s11], [sflag:$0xB], $0x2000, $0x38;
	[tilespmem:$0x10000] =	vst v63  }
0xd7: {  	_ =	swait.ge [sflag:s31], $0x2000  }
0xd8: {  	[sflag:s31] =	ssyncset.done $0x0  }
0xd9: {  	s8 =	simm.s32 $0x61F0;
	[sflag:s31] =	ssyncadd.s32 $0xFFFFE000  }
0xda: {  	v4 =	vld [tilespmem:s8+$0xFFFFFE80]  }
0xdb: {  	v5 =	vld [tilespmem:s8+$0xFFFFFF80]  }
0xdc: {  	v6 =	vld [tilespmem:s8+$0xFFFFFF00];
	_ =	sdelay $0x1  }
0xdd: {  	v7 =	vld [tilespmem:s8+$0x0];
	_ =	sdelay $0x1  }
0xde: {  	v8 =	vperm.xlane v4, v0;
	v3 =	vperm.xlane v4, v1  }
0xdf: {  	v9 =	vperm.xlane v5, v1;
	v10 =	vperm.xlane v6, v0  }
0xe0: {  	v11 =	vperm.xlane v5, v0;
	v12 =	vperm.xlane v5, v2  }
0xe1: {  	v13 =	vperm.xlane v7, v0;
	v14 =	vperm.xlane v6, v1  }
0xe2: {  	v15 =	vperm.xlane v4, v2;
	v16 =	vperm.xlane v7, v1  }
0xe3: {  	v17 =	vperm.xlane v7, v2;
	v18 =	vperm.xlane v6, v2;
	v9 =	vadd.f32 v9, v11  }
0xe4: {  	s9 =	simm.s32 $0x63F0;
	v3 =	vadd.f32 v3, v8;
	v12 =	vsel vm0, $0x0, v12;
	v15 =	vsel vm0, $0x0, v15  }
0xe5: {  	v9 =	vadd.f32 v12, v9;
	v12 =	vadd.f32 v16, v13;
	v16 =	vsel vm0, $0x0, v17;
	v17 =	vld [tilespmem:s9+$0xFFFFFE80]  }
0xe6: {  	v14 =	vadd.f32 v14, v10;
	v15 =	vadd.f32 v15, v3;
	v3 =	vsel vm0, $0x0, v18;
	v18 =	vld [tilespmem:s9+$0xFFFFFF80]  }
0xe7: {  	v20 =	vsel vm1, v5, v11;
	v9 =	vsel vm1, $0x3F800000, v9;
	v12 =	vadd.f32 v16, v12  }
0xe8: {  	v14 =	vadd.f32 v3, v14;
	v3 =	vld [tilespmem:s9+$0xFFFFFF00];
	v15 =	vsel vm1, $0x3F800000, v15;
	(erf) = vrcp.f32 v9  }
0xe9: {  	v16 =	vsel vm1, v4, v8;
	v8 =	vsel vm1, $0x3F800000, v12;
	(erf) = vrcp.f32 v15  }
0xea: {  	v5 =	vsel vm1, v6, v10;
	v4 =	vld [tilespmem:s9+$0x0];
	(erf) = vrcp.f32 v8;
	v10 =	vperm.xlane v17, v0  }
0xeb: {  	v9 =	vsel vm1, $0x3F800000, v14;
	v6 =	vperm.xlane v17, v1;
	v14 =	vperm.xlane v18, v1  }
0xec: {  	v15 =	vperm.xlane v18, v0;
	(erf) = vrcp.f32 v9  }
0xed: {  	v8 =	vsel vm1, v7, v13;
	v12 =	vperm.xlane v18, v2;
	v19 =	vperm.xlane v3, v1  }
0xee: {  	v13 =	vperm.xlane v3, v2;
	v11 =	vadd.f32 v6, v10;
	v6 =	vperm.xlane v3, v0  }
0xef: {  	v10 =	vsel vm1, v17, v10;
	v7 =	vperm.xlane v4, v0;
	v9 =	vsel vm1, v18, v15  }
0xf0: {  	v18 =	vperm.xlane v4, v2;
	v17 =	vperm.xlane v17, v2;
	v21 =	vsel vm0, $0x0, v12  }
0xf1: {  	v22 =	vadd.f32 v14, v15;
	v23 =	vperm.xlane v4, v1;
	v12 =	vadd.f32 v19, v6;
	v14 =	vpop (erf)  }
0xf2: {  	v19 =	vsel vm0, $0x0, v17;
	v15 =	vsel vm0, $0x0, v18;
	v14 =	vmul.f32 v14, v20;
	v20 =	vpop (erf)  }
0xf3: {  	s10 =	simm.s32 $0x4;
	s11 =	simm.s32 $0x65F0;
	v17 =	vadd.f32 v21, v22;
	v18 =	vadd.f32 v23, v7;
	v16 =	vmul.f32 v20, v16;
	v20 =	vpop (erf)  }
.LBB2_8:
0xf4: {  	v21 =	vld [tilespmem:s11+$0xFFFFFE80];
	s10 =	sadd.s32 $0x4, s10;
	v11 =	vadd.f32 v19, v11;
	v13 =	vsel vm0, $0x0, v13;
	[tilespmem:s8+$0xFFFFFF80] =	vst v14;
	v8 =	vmul.f32 v20, v8;
	v20 =	vmovc v10  }
0xf5: {  	v14 =	vld [tilespmem:s11+$0xFFFFFF80];
	p0 =	slt.u32 s10, $0x3C;
	v10 =	vadd.f32 v13, v12;
	v12 =	vsel vm1, $0x3F800000, v17;
	v13 =	vadd.f32 v15, v18;
	[tilespmem:s8+$0xFFFFFE80] =	vst v16;
	v15 =	vpop (erf)  }
0xf6: {  	v17 =	vmovc v9;
	v16 =	vld [tilespmem:s11+$0xFFFFFF00];
	v11 =	vsel vm1, $0x3F800000, v11;
	(erf) = vrcp.f32 v12;
	v12 =	vmul.f32 v15, v5;
	[tilespmem:s8+$0x0] =	vst v8  }
0xf7: {  	v9 =	vld [tilespmem:s11+$0x0];
	v10 =	vsel vm1, $0x3F800000, v10;
	v13 =	vsel vm1, $0x3F800000, v13;
	(erf) = vrcp.f32 v11  }
0xf8: {  	v5 =	vsel vm1, v3, v6;
	v8 =	vsel vm1, v4, v7;
	(erf) = vrcp.f32 v13;
	[tilespmem:s8+$0xFFFFFF00] =	vst v12;
	s8 =	smov.u32 s9;
	s9 =	smov.u32 s11  }
0xf9: {  	v13 =	vperm.xlane v21, v0;
	v7 =	vperm.xlane v21, v1  }
0xfa: {  	v15 =	vperm.xlane v14, v1;
	(erf) = vrcp.f32 v10  }
0xfb: {  	v18 =	vperm.xlane v14, v0;
	v11 =	vadd.f32 v7, v13;
	v6 =	vperm.xlane v16, v0;
	v3 =	vmovc v16  }
0xfc: {  	v12 =	vperm.xlane v14, v2;
	v10 =	vsel vm1, v21, v13;
	v7 =	vperm.xlane v9, v0;
	v4 =	vmovc v9  }
.Ltmp3:
0xfd: {  	v16 =	vperm.xlane v3, v1;
	v9 =	vsel vm1, v14, v18;
	v14 =	vperm.xlane v4, v2;
	(pc) =	sbr.rel @p0 .LBB2_8-.Ltmp3, $4  }
0xfe: {  	v19 =	vperm.xlane v21, v2;
	v13 =	vperm.xlane v3, v2;
	v21 =	vsel vm0, $0x0, v12  }
0xff: {  	v12 =	vadd.f32 v16, v6;
	v16 =	vadd.f32 v15, v18;
	v18 =	vperm.xlane v4, v1;
	v22 =	vpop (erf)  }
0x100: {  	v19 =	vsel vm0, $0x0, v19;
	v15 =	vsel vm0, $0x0, v14;
	v14 =	vmul.f32 v22, v17;
	v22 =	vpop (erf)  }
0x101: {  	s11 =	sadd.s32 $0x200, s11;
	v17 =	vadd.f32 v21, v16;
	v18 =	vadd.f32 v18, v7;
	v16 =	vmul.f32 v22, v20;
	v20 =	vpop (erf)  }
0x102: {  	v11 =	vadd.f32 v19, v11  }
0x103: {  	v13 =	vsel vm0, $0x0, v13;
	v17 =	vsel vm1, $0x3F800000, v17;
	v15 =	vadd.f32 v15, v18  }
0x104: {  	v12 =	vadd.f32 v13, v12;
	v11 =	vsel vm1, $0x3F800000, v11;
	(erf) = vrcp.f32 v17  }
0x105: {  	v13 =	vsel vm1, $0x3F800000, v15;
	(erf) = vrcp.f32 v11  }
0x106: {  	v11 =	vsel vm1, $0x3F800000, v12;
	(erf) = vrcp.f32 v13  }
0x107: {  	(erf) = vrcp.f32 v11;
	_ =	sdelay $0x4  }
0x108: {  	[tilespmem:s8+$0xFFFFFF80] =	vst v14;
	v8 =	vmul.f32 v20, v8;
	v11 =	vpop (erf)  }
0x109: {  	[tilespmem:s8+$0xFFFFFE80] =	vst v16;
	v5 =	vmul.f32 v11, v5;
	v11 =	vpop (erf)  }
0x10a: {  	[tilespmem:s8+$0x0] =	vst v8;
	v8 =	vmul.f32 v11, v9;
	v9 =	vpop (erf)  }
0x10b: {  	v4 =	vsel vm1, v4, v7;
	[tilespmem:s8+$0xFFFFFF00] =	vst v5;
	v5 =	vmul.f32 v9, v10;
	v7 =	vpop (erf)  }
0x10c: {  	v3 =	vsel vm1, v3, v6;
	[tilespmem:s9+$0xFFFFFF80] =	vst v8;
	v4 =	vmul.f32 v7, v4;
	v6 =	vpop (erf)  }
0x10d: {  	[tilespmem:s9+$0xFFFFFE80] =	vst v5;
	v3 =	vmul.f32 v6, v3  }
0x10e: {  	[tilespmem:s9+$0x0] =	vst v4  }
0x10f: {  	s11 =	simm.s32 $0x6000;
	[tilespmem:s9+$0xFFFFFF00] =	vst v3  }
0x110: {  	[hbm4b:s14+s2] =	stream.linear.scatter [tilespmem:s11], [sflag:$0xC], $0x2000, $0x38;
	[tilespmem:$0x10000] =	vst v63  }
0x111: {  	_ =	swait.ge [sflag:s0], $0x2000  }
0x112: {  	[sflag:s0] =	ssyncset.done $0x0  }
0x113: {  	s8 =	simm.s32 $0x81F0;
	[sflag:s0] =	ssyncadd.s32 $0xFFFFE000  }
0x114: {  	v4 =	vld [tilespmem:s8+$0xFFFFFE80]  }
0x115: {  	v5 =	vld [tilespmem:s8+$0xFFFFFF80]  }
0x116: {  	v6 =	vld [tilespmem:s8+$0xFFFFFF00];
	_ =	sdelay $0x1  }
0x117: {  	v7 =	vld [tilespmem:s8+$0x0];
	_ =	sdelay $0x1  }
0x118: {  	v8 =	vperm.xlane v4, v0;
	v3 =	vperm.xlane v4, v1  }
0x119: {  	v9 =	vperm.xlane v5, v1;
	v10 =	vperm.xlane v6, v0  }
0x11a: {  	v11 =	vperm.xlane v5, v0;
	v12 =	vperm.xlane v5, v2  }
0x11b: {  	v13 =	vperm.xlane v7, v0;
	v14 =	vperm.xlane v6, v1  }
0x11c: {  	v15 =	vperm.xlane v4, v2;
	v16 =	vperm.xlane v7, v1  }
0x11d: {  	v17 =	vperm.xlane v7, v2;
	v18 =	vperm.xlane v6, v2;
	v9 =	vadd.f32 v9, v11  }
0x11e: {  	s9 =	simm.s32 $0x83F0;
	v3 =	vadd.f32 v3, v8;
	v12 =	vsel vm0, $0x0, v12;
	v15 =	vsel vm0, $0x0, v15  }
0x11f: {  	v9 =	vadd.f32 v12, v9;
	v12 =	vadd.f32 v16, v13;
	v16 =	vsel vm0, $0x0, v17;
	v17 =	vld [tilespmem:s9+$0xFFFFFE80]  }
0x120: {  	v14 =	vadd.f32 v14, v10;
	v15 =	vadd.f32 v15, v3;
	v3 =	vsel vm0, $0x0, v18;
	v18 =	vld [tilespmem:s9+$0xFFFFFF80]  }
0x121: {  	v20 =	vsel vm1, v5, v11;
	v9 =	vsel vm1, $0x3F800000, v9;
	v12 =	vadd.f32 v16, v12  }
0x122: {  	v14 =	vadd.f32 v3, v14;
	v3 =	vld [tilespmem:s9+$0xFFFFFF00];
	v15 =	vsel vm1, $0x3F800000, v15;
	(erf) = vrcp.f32 v9  }
0x123: {  	v16 =	vsel vm1, v4, v8;
	v8 =	vsel vm1, $0x3F800000, v12;
	(erf) = vrcp.f32 v15  }
0x124: {  	v5 =	vsel vm1, v6, v10;
	v4 =	vld [tilespmem:s9+$0x0];
	(erf) = vrcp.f32 v8;
	v10 =	vperm.xlane v17, v0  }
0x125: {  	v9 =	vsel vm1, $0x3F800000, v14;
	v6 =	vperm.xlane v17, v1;
	v14 =	vperm.xlane v18, v1  }
0x126: {  	v15 =	vperm.xlane v18, v0;
	(erf) = vrcp.f32 v9  }
0x127: {  	v8 =	vsel vm1, v7, v13;
	v12 =	vperm.xlane v18, v2;
	v19 =	vperm.xlane v3, v1  }
0x128: {  	v13 =	vperm.xlane v3, v2;
	v11 =	vadd.f32 v6, v10;
	v6 =	vperm.xlane v3, v0  }
0x129: {  	v10 =	vsel vm1, v17, v10;
	v7 =	vperm.xlane v4, v0;
	v9 =	vsel vm1, v18, v15  }
0x12a: {  	v18 =	vperm.xlane v4, v2;
	v17 =	vperm.xlane v17, v2;
	v21 =	vsel vm0, $0x0, v12  }
0x12b: {  	v22 =	vadd.f32 v14, v15;
	v23 =	vperm.xlane v4, v1;
	v12 =	vadd.f32 v19, v6;
	v14 =	vpop (erf)  }
0x12c: {  	v19 =	vsel vm0, $0x0, v17;
	v15 =	vsel vm0, $0x0, v18;
	v14 =	vmul.f32 v14, v20;
	v20 =	vpop (erf)  }
0x12d: {  	s10 =	simm.s32 $0x4;
	s11 =	simm.s32 $0x85F0;
	v17 =	vadd.f32 v21, v22;
	v18 =	vadd.f32 v23, v7;
	v16 =	vmul.f32 v20, v16;
	v20 =	vpop (erf)  }
.LBB2_10:
0x12e: {  	v21 =	vld [tilespmem:s11+$0xFFFFFE80];
	s10 =	sadd.s32 $0x4, s10;
	v11 =	vadd.f32 v19, v11;
	v13 =	vsel vm0, $0x0, v13;
	[tilespmem:s8+$0xFFFFFF80] =	vst v14;
	v8 =	vmul.f32 v20, v8;
	v20 =	vmovc v10  }
0x12f: {  	v14 =	vld [tilespmem:s11+$0xFFFFFF80];
	p0 =	slt.u32 s10, $0x3C;
	v10 =	vadd.f32 v13, v12;
	v12 =	vsel vm1, $0x3F800000, v17;
	v13 =	vadd.f32 v15, v18;
	[tilespmem:s8+$0xFFFFFE80] =	vst v16;
	v15 =	vpop (erf)  }
0x130: {  	v17 =	vmovc v9;
	v16 =	vld [tilespmem:s11+$0xFFFFFF00];
	v11 =	vsel vm1, $0x3F800000, v11;
	(erf) = vrcp.f32 v12;
	v12 =	vmul.f32 v15, v5;
	[tilespmem:s8+$0x0] =	vst v8  }
0x131: {  	v9 =	vld [tilespmem:s11+$0x0];
	v10 =	vsel vm1, $0x3F800000, v10;
	v13 =	vsel vm1, $0x3F800000, v13;
	(erf) = vrcp.f32 v11  }
0x132: {  	v5 =	vsel vm1, v3, v6;
	v8 =	vsel vm1, v4, v7;
	(erf) = vrcp.f32 v13;
	[tilespmem:s8+$0xFFFFFF00] =	vst v12;
	s8 =	smov.u32 s9;
	s9 =	smov.u32 s11  }
0x133: {  	v13 =	vperm.xlane v21, v0;
	v7 =	vperm.xlane v21, v1  }
0x134: {  	v15 =	vperm.xlane v14, v1;
	(erf) = vrcp.f32 v10  }
0x135: {  	v18 =	vperm.xlane v14, v0;
	v11 =	vadd.f32 v7, v13;
	v6 =	vperm.xlane v16, v0;
	v3 =	vmovc v16  }
0x136: {  	v12 =	vperm.xlane v14, v2;
	v10 =	vsel vm1, v21, v13;
	v7 =	vperm.xlane v9, v0;
	v4 =	vmovc v9  }
.Ltmp4:
0x137: {  	v16 =	vperm.xlane v3, v1;
	v9 =	vsel vm1, v14, v18;
	v14 =	vperm.xlane v4, v2;
	(pc) =	sbr.rel @p0 .LBB2_10-.Ltmp4, $4  }
0x138: {  	v19 =	vperm.xlane v21, v2;
	v13 =	vperm.xlane v3, v2;
	v21 =	vsel vm0, $0x0, v12  }
0x139: {  	v12 =	vadd.f32 v16, v6;
	v16 =	vadd.f32 v15, v18;
	v18 =	vperm.xlane v4, v1;
	v22 =	vpop (erf)  }
0x13a: {  	v19 =	vsel vm0, $0x0, v19;
	v15 =	vsel vm0, $0x0, v14;
	v14 =	vmul.f32 v22, v17;
	v22 =	vpop (erf)  }
0x13b: {  	s11 =	sadd.s32 $0x200, s11;
	v17 =	vadd.f32 v21, v16;
	v18 =	vadd.f32 v18, v7;
	v16 =	vmul.f32 v22, v20;
	v20 =	vpop (erf)  }
0x13c: {  	v11 =	vadd.f32 v19, v11  }
0x13d: {  	v13 =	vsel vm0, $0x0, v13;
	v17 =	vsel vm1, $0x3F800000, v17;
	v15 =	vadd.f32 v15, v18  }
0x13e: {  	v12 =	vadd.f32 v13, v12;
	v11 =	vsel vm1, $0x3F800000, v11;
	(erf) = vrcp.f32 v17  }
0x13f: {  	v13 =	vsel vm1, $0x3F800000, v15;
	(erf) = vrcp.f32 v11  }
0x140: {  	v11 =	vsel vm1, $0x3F800000, v12;
	(erf) = vrcp.f32 v13  }
0x141: {  	(erf) = vrcp.f32 v11;
	_ =	sdelay $0x4  }
0x142: {  	[tilespmem:s8+$0xFFFFFF80] =	vst v14;
	v8 =	vmul.f32 v20, v8;
	v11 =	vpop (erf)  }
0x143: {  	[tilespmem:s8+$0xFFFFFE80] =	vst v16;
	v5 =	vmul.f32 v11, v5;
	v11 =	vpop (erf)  }
0x144: {  	[tilespmem:s8+$0x0] =	vst v8;
	v8 =	vmul.f32 v11, v9;
	v9 =	vpop (erf)  }
0x145: {  	v4 =	vsel vm1, v4, v7;
	[tilespmem:s8+$0xFFFFFF00] =	vst v5;
	v5 =	vmul.f32 v9, v10;
	v7 =	vpop (erf)  }
0x146: {  	v3 =	vsel vm1, v3, v6;
	[tilespmem:s9+$0xFFFFFF80] =	vst v8;
	v4 =	vmul.f32 v7, v4;
	v6 =	vpop (erf)  }
0x147: {  	[tilespmem:s9+$0xFFFFFE80] =	vst v5;
	v3 =	vmul.f32 v6, v3  }
0x148: {  	[tilespmem:s9+$0x0] =	vst v4  }
0x149: {  	s11 =	simm.s32 $0x8000;
	[tilespmem:s9+$0xFFFFFF00] =	vst v3  }
0x14a: {  	[hbm4b:s15+s2] =	stream.linear.scatter [tilespmem:s11], [sflag:$0xD], $0x2000, $0x38;
	[tilespmem:$0x10000] =	vst v63  }
0x14b: {  	_ =	swait.ge [sflag:s1], $0x2000  }
0x14c: {  	[sflag:s1] =	ssyncset.done $0x0  }
0x14d: {  	s8 =	simm.s32 $0xA1F0;
	[sflag:s1] =	ssyncadd.s32 $0xFFFFE000  }
0x14e: {  	v4 =	vld [tilespmem:s8+$0xFFFFFE80]  }
0x14f: {  	v5 =	vld [tilespmem:s8+$0xFFFFFF80]  }
0x150: {  	v6 =	vld [tilespmem:s8+$0xFFFFFF00];
	_ =	sdelay $0x1  }
0x151: {  	v7 =	vld [tilespmem:s8+$0x0];
	_ =	sdelay $0x1  }
0x152: {  	v8 =	vperm.xlane v4, v0;
	v3 =	vperm.xlane v4, v1  }
0x153: {  	v9 =	vperm.xlane v5, v1;
	v10 =	vperm.xlane v6, v0  }
0x154: {  	v11 =	vperm.xlane v5, v0;
	v12 =	vperm.xlane v5, v2  }
0x155: {  	v13 =	vperm.xlane v7, v0;
	v14 =	vperm.xlane v6, v1  }
0x156: {  	v15 =	vperm.xlane v4, v2;
	v16 =	vperm.xlane v7, v1  }
0x157: {  	v17 =	vperm.xlane v7, v2;
	v18 =	vperm.xlane v6, v2;
	v9 =	vadd.f32 v9, v11  }
0x158: {  	s9 =	simm.s32 $0xA3F0;
	v3 =	vadd.f32 v3, v8;
	v12 =	vsel vm0, $0x0, v12;
	v15 =	vsel vm0, $0x0, v15  }
0x159: {  	v9 =	vadd.f32 v12, v9;
	v12 =	vadd.f32 v16, v13;
	v16 =	vsel vm0, $0x0, v17;
	v17 =	vld [tilespmem:s9+$0xFFFFFE80]  }
0x15a: {  	v14 =	vadd.f32 v14, v10;
	v15 =	vadd.f32 v15, v3;
	v3 =	vsel vm0, $0x0, v18;
	v18 =	vld [tilespmem:s9+$0xFFFFFF80]  }
0x15b: {  	v20 =	vsel vm1, v5, v11;
	v9 =	vsel vm1, $0x3F800000, v9;
	v12 =	vadd.f32 v16, v12  }
0x15c: {  	v14 =	vadd.f32 v3, v14;
	v3 =	vld [tilespmem:s9+$0xFFFFFF00];
	v15 =	vsel vm1, $0x3F800000, v15;
	(erf) = vrcp.f32 v9  }
0x15d: {  	v16 =	vsel vm1, v4, v8;
	v8 =	vsel vm1, $0x3F800000, v12;
	(erf) = vrcp.f32 v15  }
0x15e: {  	v5 =	vsel vm1, v6, v10;
	v4 =	vld [tilespmem:s9+$0x0];
	(erf) = vrcp.f32 v8;
	v10 =	vperm.xlane v17, v0  }
0x15f: {  	v9 =	vsel vm1, $0x3F800000, v14;
	v6 =	vperm.xlane v17, v1;
	v14 =	vperm.xlane v18, v1  }
0x160: {  	v15 =	vperm.xlane v18, v0;
	(erf) = vrcp.f32 v9  }
0x161: {  	v8 =	vsel vm1, v7, v13;
	v12 =	vperm.xlane v18, v2;
	v19 =	vperm.xlane v3, v1  }
0x162: {  	v13 =	vperm.xlane v3, v2;
	v11 =	vadd.f32 v6, v10;
	v6 =	vperm.xlane v3, v0  }
0x163: {  	v10 =	vsel vm1, v17, v10;
	v7 =	vperm.xlane v4, v0;
	v9 =	vsel vm1, v18, v15  }
0x164: {  	v18 =	vperm.xlane v4, v2;
	v17 =	vperm.xlane v17, v2;
	v21 =	vsel vm0, $0x0, v12  }
0x165: {  	v22 =	vadd.f32 v14, v15;
	v23 =	vperm.xlane v4, v1;
	v12 =	vadd.f32 v19, v6;
	v14 =	vpop (erf)  }
0x166: {  	v19 =	vsel vm0, $0x0, v17;
	v15 =	vsel vm0, $0x0, v18;
	v14 =	vmul.f32 v14, v20;
	v20 =	vpop (erf)  }
0x167: {  	s10 =	simm.s32 $0x4;
	s11 =	simm.s32 $0xA5F0;
	v17 =	vadd.f32 v21, v22;
	v18 =	vadd.f32 v23, v7;
	v16 =	vmul.f32 v20, v16;
	v20 =	vpop (erf)  }
.LBB2_12:
0x168: {  	v21 =	vld [tilespmem:s11+$0xFFFFFE80];
	s10 =	sadd.s32 $0x4, s10;
	v11 =	vadd.f32 v19, v11;
	v13 =	vsel vm0, $0x0, v13;
	[tilespmem:s8+$0xFFFFFF80] =	vst v14;
	v8 =	vmul.f32 v20, v8;
	v20 =	vmovc v10  }
0x169: {  	v14 =	vld [tilespmem:s11+$0xFFFFFF80];
	p0 =	slt.u32 s10, $0x3C;
	v10 =	vadd.f32 v13, v12;
	v12 =	vsel vm1, $0x3F800000, v17;
	v13 =	vadd.f32 v15, v18;
	[tilespmem:s8+$0xFFFFFE80] =	vst v16;
	v15 =	vpop (erf)  }
0x16a: {  	v17 =	vmovc v9;
	v16 =	vld [tilespmem:s11+$0xFFFFFF00];
	v11 =	vsel vm1, $0x3F800000, v11;
	(erf) = vrcp.f32 v12;
	v12 =	vmul.f32 v15, v5;
	[tilespmem:s8+$0x0] =	vst v8  }
0x16b: {  	v9 =	vld [tilespmem:s11+$0x0];
	v10 =	vsel vm1, $0x3F800000, v10;
	v13 =	vsel vm1, $0x3F800000, v13;
	(erf) = vrcp.f32 v11  }
0x16c: {  	v5 =	vsel vm1, v3, v6;
	v8 =	vsel vm1, v4, v7;
	(erf) = vrcp.f32 v13;
	[tilespmem:s8+$0xFFFFFF00] =	vst v12;
	s8 =	smov.u32 s9;
	s9 =	smov.u32 s11  }
0x16d: {  	v13 =	vperm.xlane v21, v0;
	v7 =	vperm.xlane v21, v1  }
0x16e: {  	v15 =	vperm.xlane v14, v1;
	(erf) = vrcp.f32 v10  }
0x16f: {  	v18 =	vperm.xlane v14, v0;
	v11 =	vadd.f32 v7, v13;
	v6 =	vperm.xlane v16, v0;
	v3 =	vmovc v16  }
0x170: {  	v12 =	vperm.xlane v14, v2;
	v10 =	vsel vm1, v21, v13;
	v7 =	vperm.xlane v9, v0;
	v4 =	vmovc v9  }
.Ltmp5:
0x171: {  	v16 =	vperm.xlane v3, v1;
	v9 =	vsel vm1, v14, v18;
	v14 =	vperm.xlane v4, v2;
	(pc) =	sbr.rel @p0 .LBB2_12-.Ltmp5, $4  }
0x172: {  	v19 =	vperm.xlane v21, v2;
	v13 =	vperm.xlane v3, v2;
	v21 =	vsel vm0, $0x0, v12  }
0x173: {  	v12 =	vadd.f32 v16, v6;
	v16 =	vadd.f32 v15, v18;
	v18 =	vperm.xlane v4, v1;
	v22 =	vpop (erf)  }
0x174: {  	v19 =	vsel vm0, $0x0, v19;
	v15 =	vsel vm0, $0x0, v14;
	v14 =	vmul.f32 v22, v17;
	v22 =	vpop (erf)  }
0x175: {  	s11 =	sadd.s32 $0x200, s11;
	v17 =	vadd.f32 v21, v16;
	v18 =	vadd.f32 v18, v7;
	v16 =	vmul.f32 v22, v20;
	v20 =	vpop (erf)  }
0x176: {  	v11 =	vadd.f32 v19, v11  }
0x177: {  	v13 =	vsel vm0, $0x0, v13;
	v17 =	vsel vm1, $0x3F800000, v17;
	v15 =	vadd.f32 v15, v18  }
0x178: {  	v12 =	vadd.f32 v13, v12;
	v11 =	vsel vm1, $0x3F800000, v11;
	(erf) = vrcp.f32 v17  }
0x179: {  	v13 =	vsel vm1, $0x3F800000, v15;
	(erf) = vrcp.f32 v11  }
0x17a: {  	v11 =	vsel vm1, $0x3F800000, v12;
	(erf) = vrcp.f32 v13  }
0x17b: {  	(erf) = vrcp.f32 v11;
	_ =	sdelay $0x4  }
0x17c: {  	[tilespmem:s8+$0xFFFFFF80] =	vst v14;
	v8 =	vmul.f32 v20, v8;
	v11 =	vpop (erf)  }
0x17d: {  	[tilespmem:s8+$0xFFFFFE80] =	vst v16;
	v5 =	vmul.f32 v11, v5;
	v11 =	vpop (erf)  }
0x17e: {  	[tilespmem:s8+$0x0] =	vst v8;
	v8 =	vmul.f32 v11, v9;
	v9 =	vpop (erf)  }
0x17f: {  	v4 =	vsel vm1, v4, v7;
	[tilespmem:s8+$0xFFFFFF00] =	vst v5;
	v5 =	vmul.f32 v9, v10;
	v7 =	vpop (erf)  }
0x180: {  	v3 =	vsel vm1, v3, v6;
	[tilespmem:s9+$0xFFFFFF80] =	vst v8;
	v4 =	vmul.f32 v7, v4;
	v6 =	vpop (erf)  }
0x181: {  	[tilespmem:s9+$0xFFFFFE80] =	vst v5;
	v3 =	vmul.f32 v6, v3  }
0x182: {  	[tilespmem:s9+$0x0] =	vst v4  }
0x183: {  	s11 =	simm.s32 $0xA000;
	[tilespmem:s9+$0xFFFFFF00] =	vst v3  }
0x184: {  	[hbm4b:s16+s2] =	stream.linear.scatter [tilespmem:s11], [sflag:$0xE], $0x2000, $0x38;
	[tilespmem:$0x10000] =	vst v63  }
0x185: {  	_ =	swait.ge [sflag:s3], $0x2000  }
0x186: {  	[sflag:s3] =	ssyncset.done $0x0  }
0x187: {  	s8 =	simm.s32 $0xC1F0;
	[sflag:s3] =	ssyncadd.s32 $0xFFFFE000  }
0x188: {  	v4 =	vld [tilespmem:s8+$0xFFFFFE80]  }
0x189: {  	v5 =	vld [tilespmem:s8+$0xFFFFFF80]  }
0x18a: {  	v6 =	vld [tilespmem:s8+$0xFFFFFF00];
	_ =	sdelay $0x1  }
0x18b: {  	v7 =	vld [tilespmem:s8+$0x0];
	_ =	sdelay $0x1  }
0x18c: {  	v8 =	vperm.xlane v4, v0;
	v3 =	vperm.xlane v4, v1  }
0x18d: {  	v9 =	vperm.xlane v5, v1;
	v10 =	vperm.xlane v6, v0  }
0x18e: {  	v11 =	vperm.xlane v5, v0;
	v12 =	vperm.xlane v5, v2  }
0x18f: {  	v13 =	vperm.xlane v7, v0;
	v14 =	vperm.xlane v6, v1  }
0x190: {  	v15 =	vperm.xlane v4, v2;
	v16 =	vperm.xlane v7, v1  }
0x191: {  	v17 =	vperm.xlane v7, v2;
	v18 =	vperm.xlane v6, v2;
	v9 =	vadd.f32 v9, v11  }
0x192: {  	s9 =	simm.s32 $0xC3F0;
	v3 =	vadd.f32 v3, v8;
	v12 =	vsel vm0, $0x0, v12;
	v15 =	vsel vm0, $0x0, v15  }
0x193: {  	v9 =	vadd.f32 v12, v9;
	v12 =	vadd.f32 v16, v13;
	v16 =	vsel vm0, $0x0, v17;
	v17 =	vld [tilespmem:s9+$0xFFFFFE80]  }
0x194: {  	v14 =	vadd.f32 v14, v10;
	v15 =	vadd.f32 v15, v3;
	v3 =	vsel vm0, $0x0, v18;
	v18 =	vld [tilespmem:s9+$0xFFFFFF80]  }
0x195: {  	v20 =	vsel vm1, v5, v11;
	v9 =	vsel vm1, $0x3F800000, v9;
	v12 =	vadd.f32 v16, v12  }
0x196: {  	v14 =	vadd.f32 v3, v14;
	v3 =	vld [tilespmem:s9+$0xFFFFFF00];
	v15 =	vsel vm1, $0x3F800000, v15;
	(erf) = vrcp.f32 v9  }
0x197: {  	v16 =	vsel vm1, v4, v8;
	v8 =	vsel vm1, $0x3F800000, v12;
	(erf) = vrcp.f32 v15  }
0x198: {  	v5 =	vsel vm1, v6, v10;
	v4 =	vld [tilespmem:s9+$0x0];
	(erf) = vrcp.f32 v8;
	v10 =	vperm.xlane v17, v0  }
0x199: {  	v9 =	vsel vm1, $0x3F800000, v14;
	v6 =	vperm.xlane v17, v1;
	v14 =	vperm.xlane v18, v1  }
0x19a: {  	v15 =	vperm.xlane v18, v0;
	(erf) = vrcp.f32 v9  }
0x19b: {  	v8 =	vsel vm1, v7, v13;
	v12 =	vperm.xlane v18, v2;
	v19 =	vperm.xlane v3, v1  }
0x19c: {  	v13 =	vperm.xlane v3, v2;
	v11 =	vadd.f32 v6, v10;
	v6 =	vperm.xlane v3, v0  }
0x19d: {  	v10 =	vsel vm1, v17, v10;
	v7 =	vperm.xlane v4, v0;
	v9 =	vsel vm1, v18, v15  }
0x19e: {  	v18 =	vperm.xlane v4, v2;
	v17 =	vperm.xlane v17, v2;
	v21 =	vsel vm0, $0x0, v12  }
0x19f: {  	v22 =	vadd.f32 v14, v15;
	v23 =	vperm.xlane v4, v1;
	v12 =	vadd.f32 v19, v6;
	v14 =	vpop (erf)  }
0x1a0: {  	v19 =	vsel vm0, $0x0, v17;
	v15 =	vsel vm0, $0x0, v18;
	v14 =	vmul.f32 v14, v20;
	v20 =	vpop (erf)  }
0x1a1: {  	s10 =	simm.s32 $0x4;
	s11 =	simm.s32 $0xC5F0;
	v17 =	vadd.f32 v21, v22;
	v18 =	vadd.f32 v23, v7;
	v16 =	vmul.f32 v20, v16;
	v20 =	vpop (erf)  }
.LBB2_14:
0x1a2: {  	v21 =	vld [tilespmem:s11+$0xFFFFFE80];
	s10 =	sadd.s32 $0x4, s10;
	v11 =	vadd.f32 v19, v11;
	v13 =	vsel vm0, $0x0, v13;
	[tilespmem:s8+$0xFFFFFF80] =	vst v14;
	v8 =	vmul.f32 v20, v8;
	v20 =	vmovc v10  }
0x1a3: {  	v14 =	vld [tilespmem:s11+$0xFFFFFF80];
	p0 =	slt.u32 s10, $0x3C;
	v10 =	vadd.f32 v13, v12;
	v12 =	vsel vm1, $0x3F800000, v17;
	v13 =	vadd.f32 v15, v18;
	[tilespmem:s8+$0xFFFFFE80] =	vst v16;
	v15 =	vpop (erf)  }
0x1a4: {  	v17 =	vmovc v9;
	v16 =	vld [tilespmem:s11+$0xFFFFFF00];
	v11 =	vsel vm1, $0x3F800000, v11;
	(erf) = vrcp.f32 v12;
	v12 =	vmul.f32 v15, v5;
	[tilespmem:s8+$0x0] =	vst v8  }
0x1a5: {  	v9 =	vld [tilespmem:s11+$0x0];
	v10 =	vsel vm1, $0x3F800000, v10;
	v13 =	vsel vm1, $0x3F800000, v13;
	(erf) = vrcp.f32 v11  }
0x1a6: {  	v5 =	vsel vm1, v3, v6;
	v8 =	vsel vm1, v4, v7;
	(erf) = vrcp.f32 v13;
	[tilespmem:s8+$0xFFFFFF00] =	vst v12;
	s8 =	smov.u32 s9;
	s9 =	smov.u32 s11  }
0x1a7: {  	v13 =	vperm.xlane v21, v0;
	v7 =	vperm.xlane v21, v1  }
0x1a8: {  	v15 =	vperm.xlane v14, v1;
	(erf) = vrcp.f32 v10  }
0x1a9: {  	v18 =	vperm.xlane v14, v0;
	v11 =	vadd.f32 v7, v13;
	v6 =	vperm.xlane v16, v0;
	v3 =	vmovc v16  }
0x1aa: {  	v12 =	vperm.xlane v14, v2;
	v10 =	vsel vm1, v21, v13;
	v7 =	vperm.xlane v9, v0;
	v4 =	vmovc v9  }
.Ltmp6:
0x1ab: {  	v16 =	vperm.xlane v3, v1;
	v9 =	vsel vm1, v14, v18;
	v14 =	vperm.xlane v4, v2;
	(pc) =	sbr.rel @p0 .LBB2_14-.Ltmp6, $4  }
0x1ac: {  	v19 =	vperm.xlane v21, v2;
	v13 =	vperm.xlane v3, v2;
	v21 =	vsel vm0, $0x0, v12  }
0x1ad: {  	v12 =	vadd.f32 v16, v6;
	v16 =	vadd.f32 v15, v18;
	v18 =	vperm.xlane v4, v1;
	v22 =	vpop (erf)  }
0x1ae: {  	v19 =	vsel vm0, $0x0, v19;
	v15 =	vsel vm0, $0x0, v14;
	v14 =	vmul.f32 v22, v17;
	v22 =	vpop (erf)  }
0x1af: {  	s11 =	sadd.s32 $0x200, s11;
	v17 =	vadd.f32 v21, v16;
	v18 =	vadd.f32 v18, v7;
	v16 =	vmul.f32 v22, v20;
	v20 =	vpop (erf)  }
0x1b0: {  	v11 =	vadd.f32 v19, v11  }
0x1b1: {  	v13 =	vsel vm0, $0x0, v13;
	v17 =	vsel vm1, $0x3F800000, v17;
	v15 =	vadd.f32 v15, v18  }
0x1b2: {  	v12 =	vadd.f32 v13, v12;
	v11 =	vsel vm1, $0x3F800000, v11;
	(erf) = vrcp.f32 v17  }
0x1b3: {  	v13 =	vsel vm1, $0x3F800000, v15;
	(erf) = vrcp.f32 v11  }
0x1b4: {  	v11 =	vsel vm1, $0x3F800000, v12;
	(erf) = vrcp.f32 v13  }
0x1b5: {  	(erf) = vrcp.f32 v11;
	_ =	sdelay $0x4  }
0x1b6: {  	[tilespmem:s8+$0xFFFFFF80] =	vst v14;
	v8 =	vmul.f32 v20, v8;
	v11 =	vpop (erf)  }
0x1b7: {  	[tilespmem:s8+$0xFFFFFE80] =	vst v16;
	v5 =	vmul.f32 v11, v5;
	v11 =	vpop (erf)  }
0x1b8: {  	[tilespmem:s8+$0x0] =	vst v8;
	v8 =	vmul.f32 v11, v9;
	v9 =	vpop (erf)  }
0x1b9: {  	v4 =	vsel vm1, v4, v7;
	[tilespmem:s8+$0xFFFFFF00] =	vst v5;
	v5 =	vmul.f32 v9, v10;
	v7 =	vpop (erf)  }
0x1ba: {  	v3 =	vsel vm1, v3, v6;
	[tilespmem:s9+$0xFFFFFF80] =	vst v8;
	v4 =	vmul.f32 v7, v4;
	v6 =	vpop (erf)  }
0x1bb: {  	[tilespmem:s9+$0xFFFFFE80] =	vst v5;
	v3 =	vmul.f32 v6, v3  }
0x1bc: {  	[tilespmem:s9+$0x0] =	vst v4  }
0x1bd: {  	s11 =	simm.s32 $0xC000;
	[tilespmem:s9+$0xFFFFFF00] =	vst v3  }
0x1be: {  	[hbm4b:s17+s2] =	stream.linear.scatter [tilespmem:s11], [sflag:$0xF], $0x2000, $0x38;
	[tilespmem:$0x10000] =	vst v63  }
0x1bf: {  	_ =	swait.ge [sflag:s4], $0x2000  }
0x1c0: {  	[sflag:s4] =	ssyncset.done $0x0  }
0x1c1: {  	s8 =	simm.s32 $0xE1F0;
	[sflag:s4] =	ssyncadd.s32 $0xFFFFE000  }
0x1c2: {  	v4 =	vld [tilespmem:s8+$0xFFFFFE80]  }
0x1c3: {  	v5 =	vld [tilespmem:s8+$0xFFFFFF80]  }
0x1c4: {  	v6 =	vld [tilespmem:s8+$0xFFFFFF00];
	_ =	sdelay $0x1  }
0x1c5: {  	v7 =	vld [tilespmem:s8+$0x0];
	_ =	sdelay $0x1  }
0x1c6: {  	v8 =	vperm.xlane v4, v0;
	v3 =	vperm.xlane v4, v1  }
0x1c7: {  	v9 =	vperm.xlane v5, v1;
	v10 =	vperm.xlane v6, v0  }
0x1c8: {  	v11 =	vperm.xlane v5, v0;
	v12 =	vperm.xlane v5, v2  }
0x1c9: {  	v13 =	vperm.xlane v7, v0;
	v14 =	vperm.xlane v6, v1  }
0x1ca: {  	v15 =	vperm.xlane v4, v2;
	v16 =	vperm.xlane v7, v1  }
0x1cb: {  	v17 =	vperm.xlane v7, v2;
	v18 =	vperm.xlane v6, v2;
	v9 =	vadd.f32 v9, v11  }
0x1cc: {  	s9 =	simm.s32 $0xE3F0;
	v3 =	vadd.f32 v3, v8;
	v12 =	vsel vm0, $0x0, v12;
	v15 =	vsel vm0, $0x0, v15  }
0x1cd: {  	v9 =	vadd.f32 v12, v9;
	v12 =	vadd.f32 v16, v13;
	v16 =	vsel vm0, $0x0, v17;
	v17 =	vld [tilespmem:s9+$0xFFFFFE80]  }
0x1ce: {  	v14 =	vadd.f32 v14, v10;
	v15 =	vadd.f32 v15, v3;
	v3 =	vsel vm0, $0x0, v18;
	v18 =	vld [tilespmem:s9+$0xFFFFFF80]  }
0x1cf: {  	v20 =	vsel vm1, v5, v11;
	v9 =	vsel vm1, $0x3F800000, v9;
	v12 =	vadd.f32 v16, v12  }
0x1d0: {  	v14 =	vadd.f32 v3, v14;
	v3 =	vld [tilespmem:s9+$0xFFFFFF00];
	v15 =	vsel vm1, $0x3F800000, v15;
	(erf) = vrcp.f32 v9  }
0x1d1: {  	v16 =	vsel vm1, v4, v8;
	v8 =	vsel vm1, $0x3F800000, v12;
	(erf) = vrcp.f32 v15  }
0x1d2: {  	v5 =	vsel vm1, v6, v10;
	v4 =	vld [tilespmem:s9+$0x0];
	(erf) = vrcp.f32 v8;
	v10 =	vperm.xlane v17, v0  }
0x1d3: {  	v9 =	vsel vm1, $0x3F800000, v14;
	v6 =	vperm.xlane v17, v1;
	v14 =	vperm.xlane v18, v1  }
0x1d4: {  	v15 =	vperm.xlane v18, v0;
	(erf) = vrcp.f32 v9  }
0x1d5: {  	v8 =	vsel vm1, v7, v13;
	v12 =	vperm.xlane v18, v2;
	v19 =	vperm.xlane v3, v1  }
0x1d6: {  	v13 =	vperm.xlane v3, v2;
	v11 =	vadd.f32 v6, v10;
	v6 =	vperm.xlane v3, v0  }
0x1d7: {  	v10 =	vsel vm1, v17, v10;
	v7 =	vperm.xlane v4, v0;
	v9 =	vsel vm1, v18, v15  }
0x1d8: {  	v18 =	vperm.xlane v4, v2;
	v17 =	vperm.xlane v17, v2;
	v21 =	vsel vm0, $0x0, v12  }
0x1d9: {  	v22 =	vadd.f32 v14, v15;
	v23 =	vperm.xlane v4, v1;
	v12 =	vadd.f32 v19, v6;
	v14 =	vpop (erf)  }
0x1da: {  	v19 =	vsel vm0, $0x0, v17;
	v15 =	vsel vm0, $0x0, v18;
	v14 =	vmul.f32 v14, v20;
	v20 =	vpop (erf)  }
0x1db: {  	s10 =	simm.s32 $0x4;
	s11 =	simm.s32 $0xE5F0;
	v17 =	vadd.f32 v21, v22;
	v18 =	vadd.f32 v23, v7;
	v16 =	vmul.f32 v20, v16;
	v20 =	vpop (erf)  }
.LBB2_16:
0x1dc: {  	v21 =	vld [tilespmem:s11+$0xFFFFFE80];
	s10 =	sadd.s32 $0x4, s10;
	v11 =	vadd.f32 v19, v11;
	v13 =	vsel vm0, $0x0, v13;
	[tilespmem:s8+$0xFFFFFF80] =	vst v14;
	v8 =	vmul.f32 v20, v8;
	v20 =	vmovc v10  }
0x1dd: {  	v14 =	vld [tilespmem:s11+$0xFFFFFF80];
	p0 =	slt.u32 s10, $0x3C;
	v10 =	vadd.f32 v13, v12;
	v12 =	vsel vm1, $0x3F800000, v17;
	v13 =	vadd.f32 v15, v18;
	[tilespmem:s8+$0xFFFFFE80] =	vst v16;
	v15 =	vpop (erf)  }
0x1de: {  	v17 =	vmovc v9;
	v16 =	vld [tilespmem:s11+$0xFFFFFF00];
	v11 =	vsel vm1, $0x3F800000, v11;
	(erf) = vrcp.f32 v12;
	v12 =	vmul.f32 v15, v5;
	[tilespmem:s8+$0x0] =	vst v8  }
0x1df: {  	v9 =	vld [tilespmem:s11+$0x0];
	v10 =	vsel vm1, $0x3F800000, v10;
	v13 =	vsel vm1, $0x3F800000, v13;
	(erf) = vrcp.f32 v11  }
0x1e0: {  	v5 =	vsel vm1, v3, v6;
	v8 =	vsel vm1, v4, v7;
	(erf) = vrcp.f32 v13;
	[tilespmem:s8+$0xFFFFFF00] =	vst v12;
	s8 =	smov.u32 s9;
	s9 =	smov.u32 s11  }
0x1e1: {  	v13 =	vperm.xlane v21, v0;
	v7 =	vperm.xlane v21, v1  }
0x1e2: {  	v15 =	vperm.xlane v14, v1;
	(erf) = vrcp.f32 v10  }
0x1e3: {  	v18 =	vperm.xlane v14, v0;
	v11 =	vadd.f32 v7, v13;
	v6 =	vperm.xlane v16, v0;
	v3 =	vmovc v16  }
0x1e4: {  	v12 =	vperm.xlane v14, v2;
	v10 =	vsel vm1, v21, v13;
	v7 =	vperm.xlane v9, v0;
	v4 =	vmovc v9  }
.Ltmp7:
0x1e5: {  	v16 =	vperm.xlane v3, v1;
	v9 =	vsel vm1, v14, v18;
	v14 =	vperm.xlane v4, v2;
	(pc) =	sbr.rel @p0 .LBB2_16-.Ltmp7, $4  }
0x1e6: {  	v19 =	vperm.xlane v21, v2;
	v13 =	vperm.xlane v3, v2;
	v21 =	vsel vm0, $0x0, v12  }
0x1e7: {  	v12 =	vadd.f32 v16, v6;
	v16 =	vadd.f32 v15, v18;
	v18 =	vperm.xlane v4, v1;
	v22 =	vpop (erf)  }
0x1e8: {  	v19 =	vsel vm0, $0x0, v19;
	v15 =	vsel vm0, $0x0, v14;
	v14 =	vmul.f32 v22, v17;
	v22 =	vpop (erf)  }
0x1e9: {  	s11 =	sadd.s32 $0x200, s11;
	v17 =	vadd.f32 v21, v16;
	v18 =	vadd.f32 v18, v7;
	v16 =	vmul.f32 v22, v20;
	v20 =	vpop (erf)  }
0x1ea: {  	v11 =	vadd.f32 v19, v11  }
0x1eb: {  	v13 =	vsel vm0, $0x0, v13;
	v17 =	vsel vm1, $0x3F800000, v17;
	v15 =	vadd.f32 v15, v18  }
0x1ec: {  	v12 =	vadd.f32 v13, v12;
	v11 =	vsel vm1, $0x3F800000, v11;
	(erf) = vrcp.f32 v17  }
0x1ed: {  	v55 =	vsel vm1, $0x3F800000, v15;
	(erf) = vrcp.f32 v11  }
0x1ee: {  	v56 =	vsel vm1, $0x3F800000, v12;
	(erf) = vrcp.f32 v55  }
0x1ef: {  	(erf) = vrcp.f32 v56;
	_ =	sdelay $0x4  }
0x1f0: {  	[tilespmem:s8+$0xFFFFFF80] =	vst v14;
	v8 =	vmul.f32 v20, v8;
	v57 =	vpop (erf)  }
0x1f1: {  	[tilespmem:s8+$0xFFFFFE80] =	vst v16;
	v5 =	vmul.f32 v57, v5;
	v58 =	vpop (erf)  }
0x1f2: {  	[tilespmem:s8+$0x0] =	vst v8;
	v59 =	vmul.f32 v58, v9;
	v60 =	vpop (erf)  }
0x1f3: {  	v4 =	vsel vm1, v4, v7;
	[tilespmem:s8+$0xFFFFFF00] =	vst v5;
	v61 =	vmul.f32 v60, v10;
	v62 =	vpop (erf)  }
0x1f4: {  	v3 =	vsel vm1, v3, v6;
	[tilespmem:s9+$0xFFFFFF80] =	vst v59;
	v4 =	vmul.f32 v62, v4;
	v63 =	vpop (erf)  }
0x1f5: {  	[tilespmem:s9+$0xFFFFFE80] =	vst v61;
	v3 =	vmul.f32 v63, v3  }
0x1f6: {  	[tilespmem:s9+$0x0] =	vst v4  }
0x1f7: {  	[tilespmem:s9+$0xFFFFFF00] =	vst v3  }
0x1f8: {  	[hbm4b:s18+s2] =	stream.linear.scatter [tilespmem:s26], [sflag:$0x10], $0x2000, $0x38;
	[tilespmem:$0x10000] =	vst v63  }
0x1f9: {  	_ =	swait.ge [sflag:s20], $0x2000  }
0x1fa: {  	[sflag:s20] =	ssyncset.done $0x0  }
0x1fb: {  	[sflag:s20] =	ssyncadd.s32 $0xFFFFE000  }
0x1fc: {  	_ =	swait.ge [sflag:s21], $0x2000  }
0x1fd: {  	[sflag:s21] =	ssyncset.done $0x0  }
0x1fe: {  	[sflag:s21] =	ssyncadd.s32 $0xFFFFE000  }
0x1ff: {  	_ =	swait.ge [sflag:s22], $0x2000  }
0x200: {  	[sflag:s22] =	ssyncset.done $0x0  }
0x201: {  	[sflag:s22] =	ssyncadd.s32 $0xFFFFE000  }
0x202: {  	_ =	swait.ge [sflag:s5], $0x2000  }
0x203: {  	[sflag:s5] =	ssyncset.done $0x0  }
0x204: {  	[sflag:s5] =	ssyncadd.s32 $0xFFFFE000  }
0x205: {  	_ =	swait.ge [sflag:s6], $0x2000  }
0x206: {  	[sflag:s6] =	ssyncset.done $0x0  }
0x207: {  	[sflag:s6] =	ssyncadd.s32 $0xFFFFE000  }
0x208: {  	_ =	swait.ge [sflag:s7], $0x2000  }
0x209: {  	[sflag:s7] =	ssyncset.done $0x0  }
0x20a: {  	s25 =	sadd.s32 $0x1, s25;
	[sflag:s7] =	ssyncadd.s32 $0xFFFFE000  }
0x20b: {  	p0 =	sne.s32 s25, s19;
	_ =	swait.ge [sflag:s23], $0x2000  }
.Ltmp8:
0x20c: {  	[sflag:s23] =	ssyncset.done $0x0;
	(pc) =	sbr.rel @p0 .LBB2_1-.Ltmp8, $4  }
0x20d: {  	[sflag:s23] =	ssyncadd.s32 $0xFFFFE000  }
0x20e: {  	_ =	swait.ge [sflag:s24], $0x2000  }
0x20f: {  	[sflag:s24] =	ssyncset.done $0x0  }
0x210: {  	[sflag:s24] =	ssyncadd.s32 $0xFFFFE000  }
0x211: {  	_ =	sfence.sel $0x180000  }
0x212: {  	[bflag:$0x0] =	sbarrier.arrive $0xFFFF  }
0x213: {  	_ =	strace $0x90000047  }
0x214: {  	s0 =	stileid.u32;
	[bflag:$0x2] =	sbarrier.arrive $0xFFFF  }
0x215: {  	p0 =	sne.s32 s0, $0x0;
	s0 =	rddreg [dreg:$0x2]  }
0x216: {  	s0 =	sadd.s32 @!p0 $0x100000, s0  }
0x217: {  	[sflag:s0] =	ssyncadd.tile.s32 @!p0 $0x1;
	_ =	shalt  }
.Lfunc_end2:
_tile_overlayer_lowered:
.L_overlay_start_2:
0x218: {  	(tag) =	ssettag $0x2  }
0x219: {  	s0 =	rddreg [dreg:$0x0];
	s2 =	stileid.u32  }
0x21a: {  	s1 =	rddreg [dreg:$0x1];
	p0 =	sne.s32 s2, $0x0  }
0x21b: {  	s3 =	rddreg [dreg:$0x2];
	[bflag:$0x3] =	sbarrier.arrive $0xFFFF;
	s2 =	simm.s32 @!p0 $0x1C11  }
0x21c: {  	[timem:s3], [sflag:s2] =	dma.local @!p0 [hbm:s0], s1  }
0x21d: {  	s0 =	simm.s32 @!p0 $0x11  }
0x21e: {  	_ =	swait.ge @!p0 [sflag:s0], s1  }
0x21f: {  	s1 =	ssub.s32 @!p0 $0x0, s1;
	[sflag:s0] =	ssyncset.done @!p0 $0x0  }
0x220: {  	[sflag:s0] =	ssyncadd.s32 @!p0 s1  }
0x221: {  	[bflag:$0x3] =	sbarrier.arrive $0xFFFF  }
0x222: {  	_ =	shalt  }

</sc_bundles>
